<compile_context>
chip_gen: v7x
topology: tpu7x:2x2x1
jax: 0.10.2.dev20260603
libtpu: 0.0.44.dev20260713+nightly
codegen_flags: <defaults>
</compile_context>

<pallas_src>
import functools
import math

import jax
import jax.numpy as jnp
from jax import lax
from jax.experimental import pallas as pl
from jax.experimental.pallas import tpu as pltpu
from jax.experimental.pallas import tpu_sc as plsc

NEG = -1e30
LANES = 16


def _scores_kernel(q_ref, k_ref, s_ref, *, sq, L, scale):
    sb = pl.program_id(1)
    q = q_ref[0, 0] * scale
    k = k_ref[0, 0]
    s = jax.lax.dot_general(q, k, (((1,), (1,)), ((), ())),
                            preferred_element_type=jnp.float32)
    row = jax.lax.broadcasted_iota(jnp.int32, (sq, L), 0) + sb * sq
    col = jax.lax.broadcasted_iota(jnp.int32, (sq, L), 1)
    s_ref[0, 0] = jnp.where(col <= row, s, NEG)


def _finish_kernel(s_ref, tm_ref, v_ref, o_ref):
    s = s_ref[0, 0]
    t = tm_ref[0, 0][:, 0:1]
    m = tm_ref[0, 0][:, 15:16]
    v = v_ref[0, 0]
    p = jnp.where(s >= t, jnp.exp(s - m), 0.0)
    z = jnp.sum(p, axis=1, keepdims=True)
    o = jax.lax.dot_general(p, v, (((1,), (0,)), ((), ())),
                            preferred_element_type=jnp.float32)
    o_ref[0, 0] = o / z


def _sc_topk(scores, nrows, L):
    info = plsc.get_sparse_core_info()
    nw = info.num_cores * info.num_subcores
    rows_per_w = nrows // nw
    chunk = 64
    n_chunks = rows_per_w // chunk
    mesh = plsc.VectorSubcoreMesh(core_axis_name="c", subcore_axis_name="s")

    @functools.partial(
        pl.kernel, mesh=mesh,
        compiler_params=pltpu.CompilerParams(needs_layout_passes=False),
        out_type=jax.ShapeDtypeStruct((nrows, LANES), jnp.float32),
        scratch_types=[
            pltpu.VMEM((chunk, L), jnp.float32),
            pltpu.VMEM((chunk, LANES), jnp.float32),
        ],
    )
    def topk_kernel(s_hbm, out_hbm, rows_v, top_v):
        wid = lax.axis_index("s") * info.num_cores + lax.axis_index("c")
        base = wid * rows_per_w

        def chunk_body(ci, _):
            start = base + ci * chunk
            pltpu.sync_copy(s_hbm.at[pl.ds(start, chunk)], rows_v)

            def row_body(r, __):
                merged = None
                for j in range(L // LANES):
                    vreg = jnp.sort(rows_v[r, pl.ds(j * LANES, LANES)])
                    if merged is None:
                        merged = vreg
                    else:
                        merged = jnp.sort(
                            jnp.maximum(merged, lax.rev(vreg, (0,))))
                top_v[r, :] = merged
                return __

            lax.fori_loop(0, chunk, row_body, 0)
            pltpu.sync_copy(top_v, out_hbm.at[pl.ds(start, chunk)])
            return _

        lax.fori_loop(0, n_chunks, chunk_body, 0)

    return topk_kernel(scores)


@jax.jit
def kernel(q, compressed_k, compressed_v):
    B, H, S, D = q.shape
    L = compressed_k.shape[2]
    SQ = 512
    grid = (H, S // SQ)
    scores = pl.pallas_call(
        functools.partial(_scores_kernel, sq=SQ, L=L,
                          scale=1.0 / math.sqrt(D)),
        grid=grid,
        in_specs=[
            pl.BlockSpec((1, 1, SQ, D), lambda h, sb: (0, h, sb, 0)),
            pl.BlockSpec((1, 1, L, D), lambda h, sb: (0, h, 0, 0)),
        ],
        out_specs=pl.BlockSpec((1, 1, SQ, L), lambda h, sb: (0, h, sb, 0)),
        out_shape=jax.ShapeDtypeStruct((B, H, S, L), jnp.float32),
    )(q, compressed_k)

    tm = _sc_topk(scores.reshape(H * S, L), H * S, L)
    tm4 = tm.reshape(B, H, S, LANES)

    out = pl.pallas_call(
        _finish_kernel,
        grid=grid,
        in_specs=[
            pl.BlockSpec((1, 1, SQ, L), lambda h, sb: (0, h, sb, 0)),
            pl.BlockSpec((1, 1, SQ, LANES), lambda h, sb: (0, h, sb, 0)),
            pl.BlockSpec((1, 1, L, D), lambda h, sb: (0, h, 0, 0)),
        ],
        out_specs=pl.BlockSpec((1, 1, SQ, D), lambda h, sb: (0, h, sb, 0)),
        out_shape=jax.ShapeDtypeStruct((B, H, S, D), jnp.float32),
    )(scores, tm4, compressed_v)
    return out

# --- scband reference (transcript-rebuilt; emitter-appended) ---
"""Pipeline reference for scband-sparse-top-kattention-6373731467592 (READ-ONLY COPY).

The authoritative reference and input builder live on the scoring server;
editing this copy changes nothing except your own understanding.
"""

import jax, jax.numpy as jnp
import numpy as np
import math

TOP_K = 16


def setup_inputs(seed: int = 0) -> dict:
    key = jax.random.key(seed)
    k1, k2, k3 = jax.random.split(key, 3)
    q = jax.random.normal(k1, (1, 12, 2048, 64), dtype=jnp.float32)
    compressed_k = jax.random.normal(k2, (1, 12, 512, 64), dtype=jnp.float32)
    compressed_v = jax.random.normal(k3, (1, 12, 512, 64), dtype=jnp.float32)
    return {"q": q, "compressed_k": compressed_k, "compressed_v": compressed_v}


def _forward(q, compressed_k, compressed_v):
    B, H, S, D = q.shape
    L = compressed_k.shape[2]
    # default block_ends = arange(L), default query_positions = arange(S)
    block_ends = jnp.arange(L)
    query_positions = jnp.arange(S)
    # causal visibility over compressed entries: entry j visible to query i iff block_ends[j] <= pos[i]
    visible = block_ends[None, :] <= query_positions[:, None]  # [S, L] bool
    # indexer is Identity since indexer_dim == head_dim
    index_scores = jnp.einsum('bhsd,bhld->bhsl', q, compressed_k) / math.sqrt(D)
    min_value = jnp.finfo(index_scores.dtype).min
    masked_index_scores = jnp.where(visible[None, None, :, :], index_scores, min_value)
    k_eff = min(TOP_K, L)
    _, selected_indices = jax.lax.top_k(masked_index_scores, k_eff)  # [B,H,S,k]
    visible_bh = jnp.broadcast_to(visible[None, None, :, :], (B, H, S, L))
    selected_visible = jnp.take_along_axis(visible_bh, selected_indices, axis=-1)  # [B,H,S,k]

    def gather_kv(kv, idx):
        # kv: [L, D], idx: [S, k] -> [S, k, D]
        return kv[idx]

    selected_k = jax.vmap(jax.vmap(gather_kv))(compressed_k, selected_indices)  # [B,H,S,k,D]
    selected_v = jax.vmap(jax.vmap(gather_kv))(compressed_v, selected_indices)  # [B,H,S,k,D]
    attention_scores = jnp.sum(q[:, :, :, None, :] * selected_k, axis=-1) / math.sqrt(D)  # [B,H,S,k]
    masked_scores = jnp.where(selected_visible, attention_scores, min_value)
    weights = jax.nn.softmax(masked_scores, axis=-1)
    weights = jnp.where(selected_visible, weights, 0.0)
    output = jnp.sum(weights[..., None] * selected_v, axis=3)  # [B,H,S,D]
    return output


def reference(q, compressed_k, compressed_v):
    return _forward(q, compressed_k, compressed_v)

if __name__ == "__main__":
    import jax
    _d = setup_inputs()
    print(jax.jit(kernel)(*tuple(_d.values())))

</pallas_src>

<mosaic_0001>
#map = affine_map<(d0, d1) -> (0, 0)>
module attributes {stable_mosaic.version = 14 : i64} {
  func.func @topk_kernel(%arg0: i32, %arg1: i32, %arg2: memref<24576x512xf32, #tpu.memory_space<hbm>>, %arg3: memref<24576x16xf32, #tpu.memory_space<hbm>>, %arg4: memref<64x512xf32, #tpu.memory_space<vmem>>, %arg5: memref<64x16xf32, #tpu.memory_space<vmem>>) attributes {dimension_semantics = [#tpu.dimension_semantics<core_parallel>, #tpu.dimension_semantics<subcore_parallel>], iteration_bounds = array<i64: 2, 16>, scalar_prefetch = 0 : i64, scratch_operands = 2 : i64, tpu.core_type = #tpu.core_type<sc_vector_subcore>, window_params = [{transform_indices = #map}, {transform_indices = #map}]} {
    %mul3A = arith.constant 2 : i32
    %mul3A_0 = arith.muli %arg1, %mul3A : i32
    %add3A = arith.addi %mul3A_0, %arg0 : i32
    %mul3A_1 = arith.constant 768 : i32
    %mul3A_2 = arith.muli %add3A, %mul3A_1 : i32
    %scan3A = arith.constant 0 : i32
    %scan3A_3 = arith.constant 0 : i32
    %scan3A_4 = arith.constant 12 : i32
    %scan3A_5 = arith.addi %scan3A_3, %scan3A_4 : i32
    %scan3A_6 = arith.constant 1 : i32
    scf.for %scan3A_8 = %scan3A_3 to %scan3A_5 step %scan3A_6  : i32 {
      %mul3A_9 = arith.constant 64 : i32
      %mul3A_10 = arith.muli %scan3A_8, %mul3A_9 : i32
      %add3A_11 = arith.addi %mul3A_2, %mul3A_10 : i32
      "tpu.region"() ({
        %run_scoped3A = tpu.sem_alloc : memref<!tpu.dma_semaphore, #tpu.memory_space<semaphore_mem>>
        %dma_start3A = arith.constant 0 : i32
        %dma_start3A_18 = tpu.memref_slice %arg2[%add3A_11, %dma_start3A] : memref<24576x512xf32, #tpu.memory_space<hbm>> -> memref<64x512xf32, #tpu.memory_space<hbm>>
        %dma_start3A_19 = arith.constant 0 : i32
        %dma_start3A_20 = tpu.memref_slice %arg2[%add3A_11, %dma_start3A_19] : memref<24576x512xf32, #tpu.memory_space<hbm>> -> memref<64x512xf32, #tpu.memory_space<hbm>>
        tpu.enqueue_dma source(%dma_start3A_20 : memref<64x512xf32, #tpu.memory_space<hbm>>) target(%arg4 : memref<64x512xf32, #tpu.memory_space<vmem>>) target_semaphore(%run_scoped3A : memref<!tpu.dma_semaphore, #tpu.memory_space<semaphore_mem>>)
        %dma_wait3A = arith.constant 0 : i32
        %dma_wait3A_21 = tpu.memref_slice %arg2[%add3A_11, %dma_wait3A] : memref<24576x512xf32, #tpu.memory_space<hbm>> -> memref<64x512xf32, #tpu.memory_space<hbm>>
        %dma_wait3A_22 = arith.constant 0 : i32
        %dma_wait3A_23 = tpu.memref_slice %arg2[%add3A_11, %dma_wait3A_22] : memref<24576x512xf32, #tpu.memory_space<hbm>> -> memref<64x512xf32, #tpu.memory_space<hbm>>
        tpu.wait_dma2 semaphore(%run_scoped3A : memref<!tpu.dma_semaphore, #tpu.memory_space<semaphore_mem>>) src(%dma_wait3A_23 : memref<64x512xf32, #tpu.memory_space<hbm>>) dst(%arg4 : memref<64x512xf32, #tpu.memory_space<vmem>>)
        tpu.yield
      }) : () -> ()
      %scan3A_12 = arith.constant 0 : i32
      %scan3A_13 = arith.constant 0 : i32
      %scan3A_14 = arith.constant 64 : i32
      %scan3A_15 = arith.addi %scan3A_13, %scan3A_14 : i32
      %scan3A_16 = arith.constant 1 : i32
      scf.for %scan3A_18 = %scan3A_13 to %scan3A_15 step %scan3A_16  : i32 {
        %get3A = arith.index_cast %scan3A_18 : i32 to index
        %get3A_19 = arith.constant 0 : index
        %get3A_20 = tpu.vector_load %arg4[%get3A, %get3A_19] {strides = array<i32>} : memref<64x512xf32, #tpu.memory_space<vmem>>, vector<16xf32>,
        %sort3A = arith.constant dense<true> : vector<16xi1>
        %sort3A_21, %sort3A_22, %sort3A_23 = tpu.sort %get3A_20, %get3A_20 masked %sort3A : (vector<16xf32>, vector<16xf32>, vector<16xi1>) -> (vector<16xi1>, vector<16xf32>, vector<16xf32>)
        %get3A_24 = arith.index_cast %scan3A_18 : i32 to index
        %get3A_25 = arith.constant 16 : index
        %get3A_26 = tpu.vector_load %arg4[%get3A_24, %get3A_25] {strides = array<i32>} : memref<64x512xf32, #tpu.memory_space<vmem>>, vector<16xf32>,
        %sort3A_27 = arith.constant dense<true> : vector<16xi1>
        %sort3A_28, %sort3A_29, %sort3A_30 = tpu.sort %get3A_26, %get3A_26 masked %sort3A_27 : (vector<16xf32>, vector<16xf32>, vector<16xi1>) -> (vector<16xi1>, vector<16xf32>, vector<16xf32>)
        %rev3A = arith.constant 15 : i32
        %rev3A_31 = vector.broadcast %rev3A : i32 to vector<16xi32>
        %rev3A_32 = tpu.iota {dimensions = array<i32: 0>} : vector<16xi32>
        %rev3A_33 = arith.subi %rev3A_31, %rev3A_32 : vector<16xi32>
        %rev3A_34 = tpu.dynamic_gather %sort3A_29[%rev3A_33] in [0] : vector<16xf32>, vector<16xi32> -> vector<16xf32>
        %max3A = arith.maximumf %sort3A_22, %rev3A_34 : vector<16xf32>
        %sort3A_35 = arith.constant dense<true> : vector<16xi1>
        %sort3A_36, %sort3A_37, %sort3A_38 = tpu.sort %max3A, %max3A masked %sort3A_35 : (vector<16xf32>, vector<16xf32>, vector<16xi1>) -> (vector<16xi1>, vector<16xf32>, vector<16xf32>)
        %get3A_39 = arith.index_cast %scan3A_18 : i32 to index
        %get3A_40 = arith.constant 32 : index
        %get3A_41 = tpu.vector_load %arg4[%get3A_39, %get3A_40] {strides = array<i32>} : memref<64x512xf32, #tpu.memory_space<vmem>>, vector<16xf32>,
        %sort3A_42 = arith.constant dense<true> : vector<16xi1>
        %sort3A_43, %sort3A_44, %sort3A_45 = tpu.sort %get3A_41, %get3A_41 masked %sort3A_42 : (vector<16xf32>, vector<16xf32>, vector<16xi1>) -> (vector<16xi1>, vector<16xf32>, vector<16xf32>)
        %rev3A_46 = arith.constant 15 : i32
        %rev3A_47 = vector.broadcast %rev3A_46 : i32 to vector<16xi32>
        %rev3A_48 = tpu.iota {dimensions = array<i32: 0>} : vector<16xi32>
        %rev3A_49 = arith.subi %rev3A_47, %rev3A_48 : vector<16xi32>
        %rev3A_50 = tpu.dynamic_gather %sort3A_44[%rev3A_49] in [0] : vector<16xf32>, vector<16xi32> -> vector<16xf32>
        %max3A_51 = arith.maximumf %sort3A_37, %rev3A_50 : vector<16xf32>
        %sort3A_52 = arith.constant dense<true> : vector<16xi1>
        %sort3A_53, %sort3A_54, %sort3A_55 = tpu.sort %max3A_51, %max3A_51 masked %sort3A_52 : (vector<16xf32>, vector<16xf32>, vector<16xi1>) -> (vector<16xi1>, vector<16xf32>, vector<16xf32>)
        %get3A_56 = arith.index_cast %scan3A_18 : i32 to index
        %get3A_57 = arith.constant 48 : index
        %get3A_58 = tpu.vector_load %arg4[%get3A_56, %get3A_57] {strides = array<i32>} : memref<64x512xf32, #tpu.memory_space<vmem>>, vector<16xf32>,
        %sort3A_59 = arith.constant dense<true> : vector<16xi1>
        %sort3A_60, %sort3A_61, %sort3A_62 = tpu.sort %get3A_58, %get3A_58 masked %sort3A_59 : (vector<16xf32>, vector<16xf32>, vector<16xi1>) -> (vector<16xi1>, vector<16xf32>, vector<16xf32>)
        %rev3A_63 = arith.constant 15 : i32
        %rev3A_64 = vector.broadcast %rev3A_63 : i32 to vector<16xi32>
        %rev3A_65 = tpu.iota {dimensions = array<i32: 0>} : vector<16xi32>
        %rev3A_66 = arith.subi %rev3A_64, %rev3A_65 : vector<16xi32>
        %rev3A_67 = tpu.dynamic_gather %sort3A_61[%rev3A_66] in [0] : vector<16xf32>, vector<16xi32> -> vector<16xf32>
        %max3A_68 = arith.maximumf %sort3A_54, %rev3A_67 : vector<16xf32>
        %sort3A_69 = arith.constant dense<true> : vector<16xi1>
        %sort3A_70, %sort3A_71, %sort3A_72 = tpu.sort %max3A_68, %max3A_68 masked %sort3A_69 : (vector<16xf32>, vector<16xf32>, vector<16xi1>) -> (vector<16xi1>, vector<16xf32>, vector<16xf32>)
        %get3A_73 = arith.index_cast %scan3A_18 : i32 to index
        %get3A_74 = arith.constant 64 : index
        %get3A_75 = tpu.vector_load %arg4[%get3A_73, %get3A_74] {strides = array<i32>} : memref<64x512xf32, #tpu.memory_space<vmem>>, vector<16xf32>,
        %sort3A_76 = arith.constant dense<true> : vector<16xi1>
        %sort3A_77, %sort3A_78, %sort3A_79 = tpu.sort %get3A_75, %get3A_75 masked %sort3A_76 : (vector<16xf32>, vector<16xf32>, vector<16xi1>) -> (vector<16xi1>, vector<16xf32>, vector<16xf32>)
        %rev3A_80 = arith.constant 15 : i32
        %rev3A_81 = vector.broadcast %rev3A_80 : i32 to vector<16xi32>
        %rev3A_82 = tpu.iota {dimensions = array<i32: 0>} : vector<16xi32>
        %rev3A_83 = arith.subi %rev3A_81, %rev3A_82 : vector<16xi32>
        %rev3A_84 = tpu.dynamic_gather %sort3A_78[%rev3A_83] in [0] : vector<16xf32>, vector<16xi32> -> vector<16xf32>
        %max3A_85 = arith.maximumf %sort3A_71, %rev3A_84 : vector<16xf32>
        %sort3A_86 = arith.constant dense<true> : vector<16xi1>
        %sort3A_87, %sort3A_88, %sort3A_89 = tpu.sort %max3A_85, %max3A_85 masked %sort3A_86 : (vector<16xf32>, vector<16xf32>, vector<16xi1>) -> (vector<16xi1>, vector<16xf32>, vector<16xf32>)
        %get3A_90 = arith.index_cast %scan3A_18 : i32 to index
        %get3A_91 = arith.constant 80 : index
        %get3A_92 = tpu.vector_load %arg4[%get3A_90, %get3A_91] {strides = array<i32>} : memref<64x512xf32, #tpu.memory_space<vmem>>, vector<16xf32>,
        %sort3A_93 = arith.constant dense<true> : vector<16xi1>
        %sort3A_94, %sort3A_95, %sort3A_96 = tpu.sort %get3A_92, %get3A_92 masked %sort3A_93 : (vector<16xf32>, vector<16xf32>, vector<16xi1>) -> (vector<16xi1>, vector<16xf32>, vector<16xf32>)
        %rev3A_97 = arith.constant 15 : i32
        %rev3A_98 = vector.broadcast %rev3A_97 : i32 to vector<16xi32>
        %rev3A_99 = tpu.iota {dimensions = array<i32: 0>} : vector<16xi32>
        %rev3A_100 = arith.subi %rev3A_98, %rev3A_99 : vector<16xi32>
        %rev3A_101 = tpu.dynamic_gather %sort3A_95[%rev3A_100] in [0] : vector<16xf32>, vector<16xi32> -> vector<16xf32>
        %max3A_102 = arith.maximumf %sort3A_88, %rev3A_101 : vector<16xf32>
        %sort3A_103 = arith.constant dense<true> : vector<16xi1>
        %sort3A_104, %sort3A_105, %sort3A_106 = tpu.sort %max3A_102, %max3A_102 masked %sort3A_103 : (vector<16xf32>, vector<16xf32>, vector<16xi1>) -> (vector<16xi1>, vector<16xf32>, vector<16xf32>)
        %get3A_107 = arith.index_cast %scan3A_18 : i32 to index
        %get3A_108 = arith.constant 96 : index
        %get3A_109 = tpu.vector_load %arg4[%get3A_107, %get3A_108] {strides = array<i32>} : memref<64x512xf32, #tpu.memory_space<vmem>>, vector<16xf32>,
        %sort3A_110 = arith.constant dense<true> : vector<16xi1>
        %sort3A_111, %sort3A_112, %sort3A_113 = tpu.sort %get3A_109, %get3A_109 masked %sort3A_110 : (vector<16xf32>, vector<16xf32>, vector<16xi1>) -> (vector<16xi1>, vector<16xf32>, vector<16xf32>)
        %rev3A_114 = arith.constant 15 : i32
        %rev3A_115 = vector.broadcast %rev3A_114 : i32 to vector<16xi32>
        %rev3A_116 = tpu.iota {dimensions = array<i32: 0>} : vector<16xi32>
        %rev3A_117 = arith.subi %rev3A_115, %rev3A_116 : vector<16xi32>
        %rev3A_118 = tpu.dynamic_gather %sort3A_112[%rev3A_117] in [0] : vector<16xf32>, vector<16xi32> -> vector<16xf32>
        %max3A_119 = arith.maximumf %sort3A_105, %rev3A_118 : vector<16xf32>
        %sort3A_120 = arith.constant dense<true> : vector<16xi1>
        %sort3A_121, %sort3A_122, %sort3A_123 = tpu.sort %max3A_119, %max3A_119 masked %sort3A_120 : (vector<16xf32>, vector<16xf32>, vector<16xi1>) -> (vector<16xi1>, vector<16xf32>, vector<16xf32>)
        %get3A_124 = arith.index_cast %scan3A_18 : i32 to index
        %get3A_125 = arith.constant 112 : index
        %get3A_126 = tpu.vector_load %arg4[%get3A_124, %get3A_125] {strides = array<i32>} : memref<64x512xf32, #tpu.memory_space<vmem>>, vector<16xf32>,
        %sort3A_127 = arith.constant dense<true> : vector<16xi1>
        %sort3A_128, %sort3A_129, %sort3A_130 = tpu.sort %get3A_126, %get3A_126 masked %sort3A_127 : (vector<16xf32>, vector<16xf32>, vector<16xi1>) -> (vector<16xi1>, vector<16xf32>, vector<16xf32>)
        %rev3A_131 = arith.constant 15 : i32
        %rev3A_132 = vector.broadcast %rev3A_131 : i32 to vector<16xi32>
        %rev3A_133 = tpu.iota {dimensions = array<i32: 0>} : vector<16xi32>
        %rev3A_134 = arith.subi %rev3A_132, %rev3A_133 : vector<16xi32>
        %rev3A_135 = tpu.dynamic_gather %sort3A_129[%rev3A_134] in [0] : vector<16xf32>, vector<16xi32> -> vector<16xf32>
        %max3A_136 = arith.maximumf %sort3A_122, %rev3A_135 : vector<16xf32>
        %sort3A_137 = arith.constant dense<true> : vector<16xi1>
        %sort3A_138, %sort3A_139, %sort3A_140 = tpu.sort %max3A_136, %max3A_136 masked %sort3A_137 : (vector<16xf32>, vector<16xf32>, vector<16xi1>) -> (vector<16xi1>, vector<16xf32>, vector<16xf32>)
        %get3A_141 = arith.index_cast %scan3A_18 : i32 to index
        %get3A_142 = arith.constant 128 : index
        %get3A_143 = tpu.vector_load %arg4[%get3A_141, %get3A_142] {strides = array<i32>} : memref<64x512xf32, #tpu.memory_space<vmem>>, vector<16xf32>,
        %sort3A_144 = arith.constant dense<true> : vector<16xi1>
        %sort3A_145, %sort3A_146, %sort3A_147 = tpu.sort %get3A_143, %get3A_143 masked %sort3A_144 : (vector<16xf32>, vector<16xf32>, vector<16xi1>) -> (vector<16xi1>, vector<16xf32>, vector<16xf32>)
        %rev3A_148 = arith.constant 15 : i32
        %rev3A_149 = vector.broadcast %rev3A_148 : i32 to vector<16xi32>
        %rev3A_150 = tpu.iota {dimensions = array<i32: 0>} : vector<16xi32>
        %rev3A_151 = arith.subi %rev3A_149, %rev3A_150 : vector<16xi32>
        %rev3A_152 = tpu.dynamic_gather %sort3A_146[%rev3A_151] in [0] : vector<16xf32>, vector<16xi32> -> vector<16xf32>
        %max3A_153 = arith.maximumf %sort3A_139, %rev3A_152 : vector<16xf32>
        %sort3A_154 = arith.constant dense<true> : vector<16xi1>
        %sort3A_155, %sort3A_156, %sort3A_157 = tpu.sort %max3A_153, %max3A_153 masked %sort3A_154 : (vector<16xf32>, vector<16xf32>, vector<16xi1>) -> (vector<16xi1>, vector<16xf32>, vector<16xf32>)
        %get3A_158 = arith.index_cast %scan3A_18 : i32 to index
        %get3A_159 = arith.constant 144 : index
        %get3A_160 = tpu.vector_load %arg4[%get3A_158, %get3A_159] {strides = array<i32>} : memref<64x512xf32, #tpu.memory_space<vmem>>, vector<16xf32>,
        %sort3A_161 = arith.constant dense<true> : vector<16xi1>
        %sort3A_162, %sort3A_163, %sort3A_164 = tpu.sort %get3A_160, %get3A_160 masked %sort3A_161 : (vector<16xf32>, vector<16xf32>, vector<16xi1>) -> (vector<16xi1>, vector<16xf32>, vector<16xf32>)
        %rev3A_165 = arith.constant 15 : i32
        %rev3A_166 = vector.broadcast %rev3A_165 : i32 to vector<16xi32>
        %rev3A_167 = tpu.iota {dimensions = array<i32: 0>} : vector<16xi32>
        %rev3A_168 = arith.subi %rev3A_166, %rev3A_167 : vector<16xi32>
        %rev3A_169 = tpu.dynamic_gather %sort3A_163[%rev3A_168] in [0] : vector<16xf32>, vector<16xi32> -> vector<16xf32>
        %max3A_170 = arith.maximumf %sort3A_156, %rev3A_169 : vector<16xf32>
        %sort3A_171 = arith.constant dense<true> : vector<16xi1>
        %sort3A_172, %sort3A_173, %sort3A_174 = tpu.sort %max3A_170, %max3A_170 masked %sort3A_171 : (vector<16xf32>, vector<16xf32>, vector<16xi1>) -> (vector<16xi1>, vector<16xf32>, vector<16xf32>)
        %get3A_175 = arith.index_cast %scan3A_18 : i32 to index
        %get3A_176 = arith.constant 160 : index
        %get3A_177 = tpu.vector_load %arg4[%get3A_175, %get3A_176] {strides = array<i32>} : memref<64x512xf32, #tpu.memory_space<vmem>>, vector<16xf32>,
        %sort3A_178 = arith.constant dense<true> : vector<16xi1>
        %sort3A_179, %sort3A_180, %sort3A_181 = tpu.sort %get3A_177, %get3A_177 masked %sort3A_178 : (vector<16xf32>, vector<16xf32>, vector<16xi1>) -> (vector<16xi1>, vector<16xf32>, vector<16xf32>)
        %rev3A_182 = arith.constant 15 : i32
        %rev3A_183 = vector.broadcast %rev3A_182 : i32 to vector<16xi32>
        %rev3A_184 = tpu.iota {dimensions = array<i32: 0>} : vector<16xi32>
        %rev3A_185 = arith.subi %rev3A_183, %rev3A_184 : vector<16xi32>
        %rev3A_186 = tpu.dynamic_gather %sort3A_180[%rev3A_185] in [0] : vector<16xf32>, vector<16xi32> -> vector<16xf32>
        %max3A_187 = arith.maximumf %sort3A_173, %rev3A_186 : vector<16xf32>
        %sort3A_188 = arith.constant dense<true> : vector<16xi1>
        %sort3A_189, %sort3A_190, %sort3A_191 = tpu.sort %max3A_187, %max3A_187 masked %sort3A_188 : (vector<16xf32>, vector<16xf32>, vector<16xi1>) -> (vector<16xi1>, vector<16xf32>, vector<16xf32>)
        %get3A_192 = arith.index_cast %scan3A_18 : i32 to index
        %get3A_193 = arith.constant 176 : index
        %get3A_194 = tpu.vector_load %arg4[%get3A_192, %get3A_193] {strides = array<i32>} : memref<64x512xf32, #tpu.memory_space<vmem>>, vector<16xf32>,
        %sort3A_195 = arith.constant dense<true> : vector<16xi1>
        %sort3A_196, %sort3A_197, %sort3A_198 = tpu.sort %get3A_194, %get3A_194 masked %sort3A_195 : (vector<16xf32>, vector<16xf32>, vector<16xi1>) -> (vector<16xi1>, vector<16xf32>, vector<16xf32>)
        %rev3A_199 = arith.constant 15 : i32
        %rev3A_200 = vector.broadcast %rev3A_199 : i32 to vector<16xi32>
        %rev3A_201 = tpu.iota {dimensions = array<i32: 0>} : vector<16xi32>
        %rev3A_202 = arith.subi %rev3A_200, %rev3A_201 : vector<16xi32>
        %rev3A_203 = tpu.dynamic_gather %sort3A_197[%rev3A_202] in [0] : vector<16xf32>, vector<16xi32> -> vector<16xf32>
        %max3A_204 = arith.maximumf %sort3A_190, %rev3A_203 : vector<16xf32>
        %sort3A_205 = arith.constant dense<true> : vector<16xi1>
        %sort3A_206, %sort3A_207, %sort3A_208 = tpu.sort %max3A_204, %max3A_204 masked %sort3A_205 : (vector<16xf32>, vector<16xf32>, vector<16xi1>) -> (vector<16xi1>, vector<16xf32>, vector<16xf32>)
        %get3A_209 = arith.index_cast %scan3A_18 : i32 to index
        %get3A_210 = arith.constant 192 : index
        %get3A_211 = tpu.vector_load %arg4[%get3A_209, %get3A_210] {strides = array<i32>} : memref<64x512xf32, #tpu.memory_space<vmem>>, vector<16xf32>,
        %sort3A_212 = arith.constant dense<true> : vector<16xi1>
        %sort3A_213, %sort3A_214, %sort3A_215 = tpu.sort %get3A_211, %get3A_211 masked %sort3A_212 : (vector<16xf32>, vector<16xf32>, vector<16xi1>) -> (vector<16xi1>, vector<16xf32>, vector<16xf32>)
        %rev3A_216 = arith.constant 15 : i32
        %rev3A_217 = vector.broadcast %rev3A_216 : i32 to vector<16xi32>
        %rev3A_218 = tpu.iota {dimensions = array<i32: 0>} : vector<16xi32>
        %rev3A_219 = arith.subi %rev3A_217, %rev3A_218 : vector<16xi32>
        %rev3A_220 = tpu.dynamic_gather %sort3A_214[%rev3A_219] in [0] : vector<16xf32>, vector<16xi32> -> vector<16xf32>
        %max3A_221 = arith.maximumf %sort3A_207, %rev3A_220 : vector<16xf32>
        %sort3A_222 = arith.constant dense<true> : vector<16xi1>
        %sort3A_223, %sort3A_224, %sort3A_225 = tpu.sort %max3A_221, %max3A_221 masked %sort3A_222 : (vector<16xf32>, vector<16xf32>, vector<16xi1>) -> (vector<16xi1>, vector<16xf32>, vector<16xf32>)
        %get3A_226 = arith.index_cast %scan3A_18 : i32 to index
        %get3A_227 = arith.constant 208 : index
        %get3A_228 = tpu.vector_load %arg4[%get3A_226, %get3A_227] {strides = array<i32>} : memref<64x512xf32, #tpu.memory_space<vmem>>, vector<16xf32>,
        %sort3A_229 = arith.constant dense<true> : vector<16xi1>
        %sort3A_230, %sort3A_231, %sort3A_232 = tpu.sort %get3A_228, %get3A_228 masked %sort3A_229 : (vector<16xf32>, vector<16xf32>, vector<16xi1>) -> (vector<16xi1>, vector<16xf32>, vector<16xf32>)
        %rev3A_233 = arith.constant 15 : i32
        %rev3A_234 = vector.broadcast %rev3A_233 : i32 to vector<16xi32>
        %rev3A_235 = tpu.iota {dimensions = array<i32: 0>} : vector<16xi32>
        %rev3A_236 = arith.subi %rev3A_234, %rev3A_235 : vector<16xi32>
        %rev3A_237 = tpu.dynamic_gather %sort3A_231[%rev3A_236] in [0] : vector<16xf32>, vector<16xi32> -> vector<16xf32>
        %max3A_238 = arith.maximumf %sort3A_224, %rev3A_237 : vector<16xf32>
        %sort3A_239 = arith.constant dense<true> : vector<16xi1>
        %sort3A_240, %sort3A_241, %sort3A_242 = tpu.sort %max3A_238, %max3A_238 masked %sort3A_239 : (vector<16xf32>, vector<16xf32>, vector<16xi1>) -> (vector<16xi1>, vector<16xf32>, vector<16xf32>)
        %get3A_243 = arith.index_cast %scan3A_18 : i32 to index
        %get3A_244 = arith.constant 224 : index
        %get3A_245 = tpu.vector_load %arg4[%get3A_243, %get3A_244] {strides = array<i32>} : memref<64x512xf32, #tpu.memory_space<vmem>>, vector<16xf32>,
        %sort3A_246 = arith.constant dense<true> : vector<16xi1>
        %sort3A_247, %sort3A_248, %sort3A_249 = tpu.sort %get3A_245, %get3A_245 masked %sort3A_246 : (vector<16xf32>, vector<16xf32>, vector<16xi1>) -> (vector<16xi1>, vector<16xf32>, vector<16xf32>)
        %rev3A_250 = arith.constant 15 : i32
        %rev3A_251 = vector.broadcast %rev3A_250 : i32 to vector<16xi32>
        %rev3A_252 = tpu.iota {dimensions = array<i32: 0>} : vector<16xi32>
        %rev3A_253 = arith.subi %rev3A_251, %rev3A_252 : vector<16xi32>
        %rev3A_254 = tpu.dynamic_gather %sort3A_248[%rev3A_253] in [0] : vector<16xf32>, vector<16xi32> -> vector<16xf32>
        %max3A_255 = arith.maximumf %sort3A_241, %rev3A_254 : vector<16xf32>
        %sort3A_256 = arith.constant dense<true> : vector<16xi1>
        %sort3A_257, %sort3A_258, %sort3A_259 = tpu.sort %max3A_255, %max3A_255 masked %sort3A_256 : (vector<16xf32>, vector<16xf32>, vector<16xi1>) -> (vector<16xi1>, vector<16xf32>, vector<16xf32>)
        %get3A_260 = arith.index_cast %scan3A_18 : i32 to index
        %get3A_261 = arith.constant 240 : index
        %get3A_262 = tpu.vector_load %arg4[%get3A_260, %get3A_261] {strides = array<i32>} : memref<64x512xf32, #tpu.memory_space<vmem>>, vector<16xf32>,
        %sort3A_263 = arith.constant dense<true> : vector<16xi1>
        %sort3A_264, %sort3A_265, %sort3A_266 = tpu.sort %get3A_262, %get3A_262 masked %sort3A_263 : (vector<16xf32>, vector<16xf32>, vector<16xi1>) -> (vector<16xi1>, vector<16xf32>, vector<16xf32>)
        %rev3A_267 = arith.constant 15 : i32
        %rev3A_268 = vector.broadcast %rev3A_267 : i32 to vector<16xi32>
        %rev3A_269 = tpu.iota {dimensions = array<i32: 0>} : vector<16xi32>
        %rev3A_270 = arith.subi %rev3A_268, %rev3A_269 : vector<16xi32>
        %rev3A_271 = tpu.dynamic_gather %sort3A_265[%rev3A_270] in [0] : vector<16xf32>, vector<16xi32> -> vector<16xf32>
        %max3A_272 = arith.maximumf %sort3A_258, %rev3A_271 : vector<16xf32>
        %sort3A_273 = arith.constant dense<true> : vector<16xi1>
        %sort3A_274, %sort3A_275, %sort3A_276 = tpu.sort %max3A_272, %max3A_272 masked %sort3A_273 : (vector<16xf32>, vector<16xf32>, vector<16xi1>) -> (vector<16xi1>, vector<16xf32>, vector<16xf32>)
        %get3A_277 = arith.index_cast %scan3A_18 : i32 to index
        %get3A_278 = arith.constant 256 : index
        %get3A_279 = tpu.vector_load %arg4[%get3A_277, %get3A_278] {strides = array<i32>} : memref<64x512xf32, #tpu.memory_space<vmem>>, vector<16xf32>,
        %sort3A_280 = arith.constant dense<true> : vector<16xi1>
        %sort3A_281, %sort3A_282, %sort3A_283 = tpu.sort %get3A_279, %get3A_279 masked %sort3A_280 : (vector<16xf32>, vector<16xf32>, vector<16xi1>) -> (vector<16xi1>, vector<16xf32>, vector<16xf32>)
        %rev3A_284 = arith.constant 15 : i32
        %rev3A_285 = vector.broadcast %rev3A_284 : i32 to vector<16xi32>
        %rev3A_286 = tpu.iota {dimensions = array<i32: 0>} : vector<16xi32>
        %rev3A_287 = arith.subi %rev3A_285, %rev3A_286 : vector<16xi32>
        %rev3A_288 = tpu.dynamic_gather %sort3A_282[%rev3A_287] in [0] : vector<16xf32>, vector<16xi32> -> vector<16xf32>
        %max3A_289 = arith.maximumf %sort3A_275, %rev3A_288 : vector<16xf32>
        %sort3A_290 = arith.constant dense<true> : vector<16xi1>
        %sort3A_291, %sort3A_292, %sort3A_293 = tpu.sort %max3A_289, %max3A_289 masked %sort3A_290 : (vector<16xf32>, vector<16xf32>, vector<16xi1>) -> (vector<16xi1>, vector<16xf32>, vector<16xf32>)
        %get3A_294 = arith.index_cast %scan3A_18 : i32 to index
        %get3A_295 = arith.constant 272 : index
        %get3A_296 = tpu.vector_load %arg4[%get3A_294, %get3A_295] {strides = array<i32>} : memref<64x512xf32, #tpu.memory_space<vmem>>, vector<16xf32>,
        %sort3A_297 = arith.constant dense<true> : vector<16xi1>
        %sort3A_298, %sort3A_299, %sort3A_300 = tpu.sort %get3A_296, %get3A_296 masked %sort3A_297 : (vector<16xf32>, vector<16xf32>, vector<16xi1>) -> (vector<16xi1>, vector<16xf32>, vector<16xf32>)
        %rev3A_301 = arith.constant 15 : i32
        %rev3A_302 = vector.broadcast %rev3A_301 : i32 to vector<16xi32>
        %rev3A_303 = tpu.iota {dimensions = array<i32: 0>} : vector<16xi32>
        %rev3A_304 = arith.subi %rev3A_302, %rev3A_303 : vector<16xi32>
        %rev3A_305 = tpu.dynamic_gather %sort3A_299[%rev3A_304] in [0] : vector<16xf32>, vector<16xi32> -> vector<16xf32>
        %max3A_306 = arith.maximumf %sort3A_292, %rev3A_305 : vector<16xf32>
        %sort3A_307 = arith.constant dense<true> : vector<16xi1>
        %sort3A_308, %sort3A_309, %sort3A_310 = tpu.sort %max3A_306, %max3A_306 masked %sort3A_307 : (vector<16xf32>, vector<16xf32>, vector<16xi1>) -> (vector<16xi1>, vector<16xf32>, vector<16xf32>)
        %get3A_311 = arith.index_cast %scan3A_18 : i32 to index
        %get3A_312 = arith.constant 288 : index
        %get3A_313 = tpu.vector_load %arg4[%get3A_311, %get3A_312] {strides = array<i32>} : memref<64x512xf32, #tpu.memory_space<vmem>>, vector<16xf32>,
        %sort3A_314 = arith.constant dense<true> : vector<16xi1>
        %sort3A_315, %sort3A_316, %sort3A_317 = tpu.sort %get3A_313, %get3A_313 masked %sort3A_314 : (vector<16xf32>, vector<16xf32>, vector<16xi1>) -> (vector<16xi1>, vector<16xf32>, vector<16xf32>)
        %rev3A_318 = arith.constant 15 : i32
        %rev3A_319 = vector.broadcast %rev3A_318 : i32 to vector<16xi32>
        %rev3A_320 = tpu.iota {dimensions = array<i32: 0>} : vector<16xi32>
        %rev3A_321 = arith.subi %rev3A_319, %rev3A_320 : vector<16xi32>
        %rev3A_322 = tpu.dynamic_gather %sort3A_316[%rev3A_321] in [0] : vector<16xf32>, vector<16xi32> -> vector<16xf32>
        %max3A_323 = arith.maximumf %sort3A_309, %rev3A_322 : vector<16xf32>
        %sort3A_324 = arith.constant dense<true> : vector<16xi1>
        %sort3A_325, %sort3A_326, %sort3A_327 = tpu.sort %max3A_323, %max3A_323 masked %sort3A_324 : (vector<16xf32>, vector<16xf32>, vector<16xi1>) -> (vector<16xi1>, vector<16xf32>, vector<16xf32>)
        %get3A_328 = arith.index_cast %scan3A_18 : i32 to index
        %get3A_329 = arith.constant 304 : index
        %get3A_330 = tpu.vector_load %arg4[%get3A_328, %get3A_329] {strides = array<i32>} : memref<64x512xf32, #tpu.memory_space<vmem>>, vector<16xf32>,
        %sort3A_331 = arith.constant dense<true> : vector<16xi1>
        %sort3A_332, %sort3A_333, %sort3A_334 = tpu.sort %get3A_330, %get3A_330 masked %sort3A_331 : (vector<16xf32>, vector<16xf32>, vector<16xi1>) -> (vector<16xi1>, vector<16xf32>, vector<16xf32>)
        %rev3A_335 = arith.constant 15 : i32
        %rev3A_336 = vector.broadcast %rev3A_335 : i32 to vector<16xi32>
        %rev3A_337 = tpu.iota {dimensions = array<i32: 0>} : vector<16xi32>
        %rev3A_338 = arith.subi %rev3A_336, %rev3A_337 : vector<16xi32>
        %rev3A_339 = tpu.dynamic_gather %sort3A_333[%rev3A_338] in [0] : vector<16xf32>, vector<16xi32> -> vector<16xf32>
        %max3A_340 = arith.maximumf %sort3A_326, %rev3A_339 : vector<16xf32>
        %sort3A_341 = arith.constant dense<true> : vector<16xi1>
        %sort3A_342, %sort3A_343, %sort3A_344 = tpu.sort %max3A_340, %max3A_340 masked %sort3A_341 : (vector<16xf32>, vector<16xf32>, vector<16xi1>) -> (vector<16xi1>, vector<16xf32>, vector<16xf32>)
        %get3A_345 = arith.index_cast %scan3A_18 : i32 to index
        %get3A_346 = arith.constant 320 : index
        %get3A_347 = tpu.vector_load %arg4[%get3A_345, %get3A_346] {strides = array<i32>} : memref<64x512xf32, #tpu.memory_space<vmem>>, vector<16xf32>,
        %sort3A_348 = arith.constant dense<true> : vector<16xi1>
        %sort3A_349, %sort3A_350, %sort3A_351 = tpu.sort %get3A_347, %get3A_347 masked %sort3A_348 : (vector<16xf32>, vector<16xf32>, vector<16xi1>) -> (vector<16xi1>, vector<16xf32>, vector<16xf32>)
        %rev3A_352 = arith.constant 15 : i32
        %rev3A_353 = vector.broadcast %rev3A_352 : i32 to vector<16xi32>
        %rev3A_354 = tpu.iota {dimensions = array<i32: 0>} : vector<16xi32>
        %rev3A_355 = arith.subi %rev3A_353, %rev3A_354 : vector<16xi32>
        %rev3A_356 = tpu.dynamic_gather %sort3A_350[%rev3A_355] in [0] : vector<16xf32>, vector<16xi32> -> vector<16xf32>
        %max3A_357 = arith.maximumf %sort3A_343, %rev3A_356 : vector<16xf32>
        %sort3A_358 = arith.constant dense<true> : vector<16xi1>
        %sort3A_359, %sort3A_360, %sort3A_361 = tpu.sort %max3A_357, %max3A_357 masked %sort3A_358 : (vector<16xf32>, vector<16xf32>, vector<16xi1>) -> (vector<16xi1>, vector<16xf32>, vector<16xf32>)
        %get3A_362 = arith.index_cast %scan3A_18 : i32 to index
        %get3A_363 = arith.constant 336 : index
        %get3A_364 = tpu.vector_load %arg4[%get3A_362, %get3A_363] {strides = array<i32>} : memref<64x512xf32, #tpu.memory_space<vmem>>, vector<16xf32>,
        %sort3A_365 = arith.constant dense<true> : vector<16xi1>
        %sort3A_366, %sort3A_367, %sort3A_368 = tpu.sort %get3A_364, %get3A_364 masked %sort3A_365 : (vector<16xf32>, vector<16xf32>, vector<16xi1>) -> (vector<16xi1>, vector<16xf32>, vector<16xf32>)
        %rev3A_369 = arith.constant 15 : i32
        %rev3A_370 = vector.broadcast %rev3A_369 : i32 to vector<16xi32>
        %rev3A_371 = tpu.iota {dimensions = array<i32: 0>} : vector<16xi32>
        %rev3A_372 = arith.subi %rev3A_370, %rev3A_371 : vector<16xi32>
        %rev3A_373 = tpu.dynamic_gather %sort3A_367[%rev3A_372] in [0] : vector<16xf32>, vector<16xi32> -> vector<16xf32>
        %max3A_374 = arith.maximumf %sort3A_360, %rev3A_373 : vector<16xf32>
        %sort3A_375 = arith.constant dense<true> : vector<16xi1>
        %sort3A_376, %sort3A_377, %sort3A_378 = tpu.sort %max3A_374, %max3A_374 masked %sort3A_375 : (vector<16xf32>, vector<16xf32>, vector<16xi1>) -> (vector<16xi1>, vector<16xf32>, vector<16xf32>)
        %get3A_379 = arith.index_cast %scan3A_18 : i32 to index
        %get3A_380 = arith.constant 352 : index
        %get3A_381 = tpu.vector_load %arg4[%get3A_379, %get3A_380] {strides = array<i32>} : memref<64x512xf32, #tpu.memory_space<vmem>>, vector<16xf32>,
        %sort3A_382 = arith.constant dense<true> : vector<16xi1>
        %sort3A_383, %sort3A_384, %sort3A_385 = tpu.sort %get3A_381, %get3A_381 masked %sort3A_382 : (vector<16xf32>, vector<16xf32>, vector<16xi1>) -> (vector<16xi1>, vector<16xf32>, vector<16xf32>)
        %rev3A_386 = arith.constant 15 : i32
        %rev3A_387 = vector.broadcast %rev3A_386 : i32 to vector<16xi32>
        %rev3A_388 = tpu.iota {dimensions = array<i32: 0>} : vector<16xi32>
        %rev3A_389 = arith.subi %rev3A_387, %rev3A_388 : vector<16xi32>
        %rev3A_390 = tpu.dynamic_gather %sort3A_384[%rev3A_389] in [0] : vector<16xf32>, vector<16xi32> -> vector<16xf32>
        %max3A_391 = arith.maximumf %sort3A_377, %rev3A_390 : vector<16xf32>
        %sort3A_392 = arith.constant dense<true> : vector<16xi1>
        %sort3A_393, %sort3A_394, %sort3A_395 = tpu.sort %max3A_391, %max3A_391 masked %sort3A_392 : (vector<16xf32>, vector<16xf32>, vector<16xi1>) -> (vector<16xi1>, vector<16xf32>, vector<16xf32>)
        %get3A_396 = arith.index_cast %scan3A_18 : i32 to index
        %get3A_397 = arith.constant 368 : index
        %get3A_398 = tpu.vector_load %arg4[%get3A_396, %get3A_397] {strides = array<i32>} : memref<64x512xf32, #tpu.memory_space<vmem>>, vector<16xf32>,
        %sort3A_399 = arith.constant dense<true> : vector<16xi1>
        %sort3A_400, %sort3A_401, %sort3A_402 = tpu.sort %get3A_398, %get3A_398 masked %sort3A_399 : (vector<16xf32>, vector<16xf32>, vector<16xi1>) -> (vector<16xi1>, vector<16xf32>, vector<16xf32>)
        %rev3A_403 = arith.constant 15 : i32
        %rev3A_404 = vector.broadcast %rev3A_403 : i32 to vector<16xi32>
        %rev3A_405 = tpu.iota {dimensions = array<i32: 0>} : vector<16xi32>
        %rev3A_406 = arith.subi %rev3A_404, %rev3A_405 : vector<16xi32>
        %rev3A_407 = tpu.dynamic_gather %sort3A_401[%rev3A_406] in [0] : vector<16xf32>, vector<16xi32> -> vector<16xf32>
        %max3A_408 = arith.maximumf %sort3A_394, %rev3A_407 : vector<16xf32>
        %sort3A_409 = arith.constant dense<true> : vector<16xi1>
        %sort3A_410, %sort3A_411, %sort3A_412 = tpu.sort %max3A_408, %max3A_408 masked %sort3A_409 : (vector<16xf32>, vector<16xf32>, vector<16xi1>) -> (vector<16xi1>, vector<16xf32>, vector<16xf32>)
        %get3A_413 = arith.index_cast %scan3A_18 : i32 to index
        %get3A_414 = arith.constant 384 : index
        %get3A_415 = tpu.vector_load %arg4[%get3A_413, %get3A_414] {strides = array<i32>} : memref<64x512xf32, #tpu.memory_space<vmem>>, vector<16xf32>,
        %sort3A_416 = arith.constant dense<true> : vector<16xi1>
        %sort3A_417, %sort3A_418, %sort3A_419 = tpu.sort %get3A_415, %get3A_415 masked %sort3A_416 : (vector<16xf32>, vector<16xf32>, vector<16xi1>) -> (vector<16xi1>, vector<16xf32>, vector<16xf32>)
        %rev3A_420 = arith.constant 15 : i32
        %rev3A_421 = vector.broadcast %rev3A_420 : i32 to vector<16xi32>
        %rev3A_422 = tpu.iota {dimensions = array<i32: 0>} : vector<16xi32>
        %rev3A_423 = arith.subi %rev3A_421, %rev3A_422 : vector<16xi32>
        %rev3A_424 = tpu.dynamic_gather %sort3A_418[%rev3A_423] in [0] : vector<16xf32>, vector<16xi32> -> vector<16xf32>
        %max3A_425 = arith.maximumf %sort3A_411, %rev3A_424 : vector<16xf32>
        %sort3A_426 = arith.constant dense<true> : vector<16xi1>
        %sort3A_427, %sort3A_428, %sort3A_429 = tpu.sort %max3A_425, %max3A_425 masked %sort3A_426 : (vector<16xf32>, vector<16xf32>, vector<16xi1>) -> (vector<16xi1>, vector<16xf32>, vector<16xf32>)
        %get3A_430 = arith.index_cast %scan3A_18 : i32 to index
        %get3A_431 = arith.constant 400 : index
        %get3A_432 = tpu.vector_load %arg4[%get3A_430, %get3A_431] {strides = array<i32>} : memref<64x512xf32, #tpu.memory_space<vmem>>, vector<16xf32>,
        %sort3A_433 = arith.constant dense<true> : vector<16xi1>
        %sort3A_434, %sort3A_435, %sort3A_436 = tpu.sort %get3A_432, %get3A_432 masked %sort3A_433 : (vector<16xf32>, vector<16xf32>, vector<16xi1>) -> (vector<16xi1>, vector<16xf32>, vector<16xf32>)
        %rev3A_437 = arith.constant 15 : i32
        %rev3A_438 = vector.broadcast %rev3A_437 : i32 to vector<16xi32>
        %rev3A_439 = tpu.iota {dimensions = array<i32: 0>} : vector<16xi32>
        %rev3A_440 = arith.subi %rev3A_438, %rev3A_439 : vector<16xi32>
        %rev3A_441 = tpu.dynamic_gather %sort3A_435[%rev3A_440] in [0] : vector<16xf32>, vector<16xi32> -> vector<16xf32>
        %max3A_442 = arith.maximumf %sort3A_428, %rev3A_441 : vector<16xf32>
        %sort3A_443 = arith.constant dense<true> : vector<16xi1>
        %sort3A_444, %sort3A_445, %sort3A_446 = tpu.sort %max3A_442, %max3A_442 masked %sort3A_443 : (vector<16xf32>, vector<16xf32>, vector<16xi1>) -> (vector<16xi1>, vector<16xf32>, vector<16xf32>)
        %get3A_447 = arith.index_cast %scan3A_18 : i32 to index
        %get3A_448 = arith.constant 416 : index
        %get3A_449 = tpu.vector_load %arg4[%get3A_447, %get3A_448] {strides = array<i32>} : memref<64x512xf32, #tpu.memory_space<vmem>>, vector<16xf32>,
        %sort3A_450 = arith.constant dense<true> : vector<16xi1>
        %sort3A_451, %sort3A_452, %sort3A_453 = tpu.sort %get3A_449, %get3A_449 masked %sort3A_450 : (vector<16xf32>, vector<16xf32>, vector<16xi1>) -> (vector<16xi1>, vector<16xf32>, vector<16xf32>)
        %rev3A_454 = arith.constant 15 : i32
        %rev3A_455 = vector.broadcast %rev3A_454 : i32 to vector<16xi32>
        %rev3A_456 = tpu.iota {dimensions = array<i32: 0>} : vector<16xi32>
        %rev3A_457 = arith.subi %rev3A_455, %rev3A_456 : vector<16xi32>
        %rev3A_458 = tpu.dynamic_gather %sort3A_452[%rev3A_457] in [0] : vector<16xf32>, vector<16xi32> -> vector<16xf32>
        %max3A_459 = arith.maximumf %sort3A_445, %rev3A_458 : vector<16xf32>
        %sort3A_460 = arith.constant dense<true> : vector<16xi1>
        %sort3A_461, %sort3A_462, %sort3A_463 = tpu.sort %max3A_459, %max3A_459 masked %sort3A_460 : (vector<16xf32>, vector<16xf32>, vector<16xi1>) -> (vector<16xi1>, vector<16xf32>, vector<16xf32>)
        %get3A_464 = arith.index_cast %scan3A_18 : i32 to index
        %get3A_465 = arith.constant 432 : index
        %get3A_466 = tpu.vector_load %arg4[%get3A_464, %get3A_465] {strides = array<i32>} : memref<64x512xf32, #tpu.memory_space<vmem>>, vector<16xf32>,
        %sort3A_467 = arith.constant dense<true> : vector<16xi1>
        %sort3A_468, %sort3A_469, %sort3A_470 = tpu.sort %get3A_466, %get3A_466 masked %sort3A_467 : (vector<16xf32>, vector<16xf32>, vector<16xi1>) -> (vector<16xi1>, vector<16xf32>, vector<16xf32>)
        %rev3A_471 = arith.constant 15 : i32
        %rev3A_472 = vector.broadcast %rev3A_471 : i32 to vector<16xi32>
        %rev3A_473 = tpu.iota {dimensions = array<i32: 0>} : vector<16xi32>
        %rev3A_474 = arith.subi %rev3A_472, %rev3A_473 : vector<16xi32>
        %rev3A_475 = tpu.dynamic_gather %sort3A_469[%rev3A_474] in [0] : vector<16xf32>, vector<16xi32> -> vector<16xf32>
        %max3A_476 = arith.maximumf %sort3A_462, %rev3A_475 : vector<16xf32>
        %sort3A_477 = arith.constant dense<true> : vector<16xi1>
        %sort3A_478, %sort3A_479, %sort3A_480 = tpu.sort %max3A_476, %max3A_476 masked %sort3A_477 : (vector<16xf32>, vector<16xf32>, vector<16xi1>) -> (vector<16xi1>, vector<16xf32>, vector<16xf32>)
        %get3A_481 = arith.index_cast %scan3A_18 : i32 to index
        %get3A_482 = arith.constant 448 : index
        %get3A_483 = tpu.vector_load %arg4[%get3A_481, %get3A_482] {strides = array<i32>} : memref<64x512xf32, #tpu.memory_space<vmem>>, vector<16xf32>,
        %sort3A_484 = arith.constant dense<true> : vector<16xi1>
        %sort3A_485, %sort3A_486, %sort3A_487 = tpu.sort %get3A_483, %get3A_483 masked %sort3A_484 : (vector<16xf32>, vector<16xf32>, vector<16xi1>) -> (vector<16xi1>, vector<16xf32>, vector<16xf32>)
        %rev3A_488 = arith.constant 15 : i32
        %rev3A_489 = vector.broadcast %rev3A_488 : i32 to vector<16xi32>
        %rev3A_490 = tpu.iota {dimensions = array<i32: 0>} : vector<16xi32>
        %rev3A_491 = arith.subi %rev3A_489, %rev3A_490 : vector<16xi32>
        %rev3A_492 = tpu.dynamic_gather %sort3A_486[%rev3A_491] in [0] : vector<16xf32>, vector<16xi32> -> vector<16xf32>
        %max3A_493 = arith.maximumf %sort3A_479, %rev3A_492 : vector<16xf32>
        %sort3A_494 = arith.constant dense<true> : vector<16xi1>
        %sort3A_495, %sort3A_496, %sort3A_497 = tpu.sort %max3A_493, %max3A_493 masked %sort3A_494 : (vector<16xf32>, vector<16xf32>, vector<16xi1>) -> (vector<16xi1>, vector<16xf32>, vector<16xf32>)
        %get3A_498 = arith.index_cast %scan3A_18 : i32 to index
        %get3A_499 = arith.constant 464 : index
        %get3A_500 = tpu.vector_load %arg4[%get3A_498, %get3A_499] {strides = array<i32>} : memref<64x512xf32, #tpu.memory_space<vmem>>, vector<16xf32>,
        %sort3A_501 = arith.constant dense<true> : vector<16xi1>
        %sort3A_502, %sort3A_503, %sort3A_504 = tpu.sort %get3A_500, %get3A_500 masked %sort3A_501 : (vector<16xf32>, vector<16xf32>, vector<16xi1>) -> (vector<16xi1>, vector<16xf32>, vector<16xf32>)
        %rev3A_505 = arith.constant 15 : i32
        %rev3A_506 = vector.broadcast %rev3A_505 : i32 to vector<16xi32>
        %rev3A_507 = tpu.iota {dimensions = array<i32: 0>} : vector<16xi32>
        %rev3A_508 = arith.subi %rev3A_506, %rev3A_507 : vector<16xi32>
        %rev3A_509 = tpu.dynamic_gather %sort3A_503[%rev3A_508] in [0] : vector<16xf32>, vector<16xi32> -> vector<16xf32>
        %max3A_510 = arith.maximumf %sort3A_496, %rev3A_509 : vector<16xf32>
        %sort3A_511 = arith.constant dense<true> : vector<16xi1>
        %sort3A_512, %sort3A_513, %sort3A_514 = tpu.sort %max3A_510, %max3A_510 masked %sort3A_511 : (vector<16xf32>, vector<16xf32>, vector<16xi1>) -> (vector<16xi1>, vector<16xf32>, vector<16xf32>)
        %get3A_515 = arith.index_cast %scan3A_18 : i32 to index
        %get3A_516 = arith.constant 480 : index
        %get3A_517 = tpu.vector_load %arg4[%get3A_515, %get3A_516] {strides = array<i32>} : memref<64x512xf32, #tpu.memory_space<vmem>>, vector<16xf32>,
        %sort3A_518 = arith.constant dense<true> : vector<16xi1>
        %sort3A_519, %sort3A_520, %sort3A_521 = tpu.sort %get3A_517, %get3A_517 masked %sort3A_518 : (vector<16xf32>, vector<16xf32>, vector<16xi1>) -> (vector<16xi1>, vector<16xf32>, vector<16xf32>)
        %rev3A_522 = arith.constant 15 : i32
        %rev3A_523 = vector.broadcast %rev3A_522 : i32 to vector<16xi32>
        %rev3A_524 = tpu.iota {dimensions = array<i32: 0>} : vector<16xi32>
        %rev3A_525 = arith.subi %rev3A_523, %rev3A_524 : vector<16xi32>
        %rev3A_526 = tpu.dynamic_gather %sort3A_520[%rev3A_525] in [0] : vector<16xf32>, vector<16xi32> -> vector<16xf32>
        %max3A_527 = arith.maximumf %sort3A_513, %rev3A_526 : vector<16xf32>
        %sort3A_528 = arith.constant dense<true> : vector<16xi1>
        %sort3A_529, %sort3A_530, %sort3A_531 = tpu.sort %max3A_527, %max3A_527 masked %sort3A_528 : (vector<16xf32>, vector<16xf32>, vector<16xi1>) -> (vector<16xi1>, vector<16xf32>, vector<16xf32>)
        %get3A_532 = arith.index_cast %scan3A_18 : i32 to index
        %get3A_533 = arith.constant 496 : index
        %get3A_534 = tpu.vector_load %arg4[%get3A_532, %get3A_533] {strides = array<i32>} : memref<64x512xf32, #tpu.memory_space<vmem>>, vector<16xf32>,
        %sort3A_535 = arith.constant dense<true> : vector<16xi1>
        %sort3A_536, %sort3A_537, %sort3A_538 = tpu.sort %get3A_534, %get3A_534 masked %sort3A_535 : (vector<16xf32>, vector<16xf32>, vector<16xi1>) -> (vector<16xi1>, vector<16xf32>, vector<16xf32>)
        %rev3A_539 = arith.constant 15 : i32
        %rev3A_540 = vector.broadcast %rev3A_539 : i32 to vector<16xi32>
        %rev3A_541 = tpu.iota {dimensions = array<i32: 0>} : vector<16xi32>
        %rev3A_542 = arith.subi %rev3A_540, %rev3A_541 : vector<16xi32>
        %rev3A_543 = tpu.dynamic_gather %sort3A_537[%rev3A_542] in [0] : vector<16xf32>, vector<16xi32> -> vector<16xf32>
        %max3A_544 = arith.maximumf %sort3A_530, %rev3A_543 : vector<16xf32>
        %sort3A_545 = arith.constant dense<true> : vector<16xi1>
        %sort3A_546, %sort3A_547, %sort3A_548 = tpu.sort %max3A_544, %max3A_544 masked %sort3A_545 : (vector<16xf32>, vector<16xf32>, vector<16xi1>) -> (vector<16xi1>, vector<16xf32>, vector<16xf32>)
        %swap3A = arith.index_cast %scan3A_18 : i32 to index
        %swap3A_549 = arith.constant 0 : index
        %swap3A_550 = tpu.vector_load %arg5[%swap3A, %swap3A_549] {strides = array<i32>} : memref<64x16xf32, #tpu.memory_space<vmem>>, vector<16xf32>,
        tpu.vector_store %arg5[%swap3A, %swap3A_549], %sort3A_547 {strides = array<i32>} : memref<64x16xf32, #tpu.memory_space<vmem>>, vector<16xf32>,
      }
      %scan3A_17 = arith.constant 64 : i32
      "tpu.region"() ({
        %run_scoped3A = tpu.sem_alloc : memref<!tpu.dma_semaphore, #tpu.memory_space<semaphore_mem>>
        %dma_start3A = arith.constant 0 : i32
        %dma_start3A_18 = tpu.memref_slice %arg3[%add3A_11, %dma_start3A] : memref<24576x16xf32, #tpu.memory_space<hbm>> -> memref<64x16xf32, #tpu.memory_space<hbm>>
        %dma_start3A_19 = arith.constant 0 : i32
        %dma_start3A_20 = tpu.memref_slice %arg3[%add3A_11, %dma_start3A_19] : memref<24576x16xf32, #tpu.memory_space<hbm>> -> memref<64x16xf32, #tpu.memory_space<hbm>>
        tpu.enqueue_dma source(%arg5 : memref<64x16xf32, #tpu.memory_space<vmem>>) target(%dma_start3A_20 : memref<64x16xf32, #tpu.memory_space<hbm>>) target_semaphore(%run_scoped3A : memref<!tpu.dma_semaphore, #tpu.memory_space<semaphore_mem>>)
        %dma_wait3A = arith.constant 0 : i32
        %dma_wait3A_21 = tpu.memref_slice %arg3[%add3A_11, %dma_wait3A] : memref<24576x16xf32, #tpu.memory_space<hbm>> -> memref<64x16xf32, #tpu.memory_space<hbm>>
        %dma_wait3A_22 = arith.constant 0 : i32
        %dma_wait3A_23 = tpu.memref_slice %arg3[%add3A_11, %dma_wait3A_22] : memref<24576x16xf32, #tpu.memory_space<hbm>> -> memref<64x16xf32, #tpu.memory_space<hbm>>
        tpu.wait_dma2 semaphore(%run_scoped3A : memref<!tpu.dma_semaphore, #tpu.memory_space<semaphore_mem>>) src(%arg5 : memref<64x16xf32, #tpu.memory_space<vmem>>) dst(%dma_wait3A_23 : memref<64x16xf32, #tpu.memory_space<hbm>>)
        tpu.yield
      }) : () -> ()
    }
    %scan3A_7 = arith.constant 12 : i32
    return
  }
}

module attributes {stable_mosaic.version = 14 : i64} {
  func.func @_scores_kernel(%arg0: i32, %arg1: i32, %arg2: memref<1x1x512x64xf32, #tpu.memory_space<vmem>>, %arg3: memref<1x1x512x64xf32, #tpu.memory_space<vmem>>, %arg4: memref<1x1x512x512xf32, #tpu.memory_space<vmem>>) attributes {dimension_semantics = [#tpu.dimension_semantics<arbitrary>, #tpu.dimension_semantics<arbitrary>], iteration_bounds = array<i64: 12, 4>, scalar_prefetch = 0 : i64, scratch_operands = 0 : i64, tpu.core_type = #tpu.core_type<tc>, window_params = [{transform_indices = @transform_0, window_bounds = array<i64: 1, 1, 512, 64>}, {transform_indices = @transform_1, window_bounds = array<i64: 1, 1, 512, 64>}, {transform_indices = @transform_2, window_bounds = array<i64: 1, 1, 512, 512>}]} {
    %get3A = arith.constant 0 : index
    %get3A_0 = arith.constant 0 : index
    %get3A_1 = arith.constant 0 : index
    %get3A_2 = arith.constant 0 : index
    %get3A_3 = vector.load %arg2[%get3A, %get3A_0, %get3A_1, %get3A_2] : memref<1x1x512x64xf32, #tpu.memory_space<vmem>>, vector<1x1x512x64xf32>
    %get3A_4 = vector.shape_cast %get3A_3 : vector<1x1x512x64xf32> to vector<512x64xf32>
    %mul3A = arith.constant 1.250000e-01 : f32
    %mul3A_5 = vector.broadcast %mul3A : f32 to vector<512x64xf32>
    %mul3A_6 = arith.mulf %get3A_4, %mul3A_5 : vector<512x64xf32>
    %get3A_7 = arith.constant 0 : index
    %get3A_8 = arith.constant 0 : index
    %get3A_9 = arith.constant 0 : index
    %get3A_10 = arith.constant 0 : index
    %get3A_11 = vector.load %arg3[%get3A_7, %get3A_8, %get3A_9, %get3A_10] : memref<1x1x512x64xf32, #tpu.memory_space<vmem>>, vector<1x1x512x64xf32>
    %get3A_12 = vector.shape_cast %get3A_11 : vector<1x1x512x64xf32> to vector<512x64xf32>
    %dot_general3A = arith.constant dense<0.000000e+00> : vector<512x512xf32>
    %dot_general3A_13 = tpu.matmul %mul3A_6, %get3A_12, %dot_general3A {dimension_numbers = #tpu.dot_dimension_numbers<[1], [1], [0], [0], [0, 0, 1, 0], [], []>, transpose_lhs_hint = false} : vector<512x64xf32>, vector<512x64xf32>, vector<512x512xf32> -> vector<512x512xf32>
    %iota3A = tpu.iota {dimensions = array<i32: 0>} : vector<512x512xi32>
    %mul3A_14 = arith.constant 512 : i32
    %mul3A_15 = arith.muli %arg1, %mul3A_14 : i32
    %add3A = vector.broadcast %mul3A_15 : i32 to vector<512x512xi32>
    %add3A_16 = arith.addi %iota3A, %add3A : vector<512x512xi32>
    %iota3A_17 = tpu.iota {dimensions = array<i32: 1>} : vector<512x512xi32>
    %le3A = arith.cmpi sle, %iota3A_17, %add3A_16 : vector<512x512xi32>
    %jit3A = arith.constant -1.000000e+30 : f32
    %broadcast_in_dim3A = vector.broadcast %jit3A : f32 to vector<512x512xf32>
    %select_n3A = arith.select %le3A, %dot_general3A_13, %broadcast_in_dim3A : vector<512x512xi1>, vector<512x512xf32>
    %swap3A = arith.constant 0 : index
    %swap3A_18 = arith.constant 0 : index
    %swap3A_19 = arith.constant 0 : index
    %swap3A_20 = arith.constant 0 : index
    %swap3A_21 = vector.load %arg4[%swap3A, %swap3A_18, %swap3A_19, %swap3A_20] : memref<1x1x512x512xf32, #tpu.memory_space<vmem>>, vector<1x1x512x512xf32>
    %swap3A_22 = vector.shape_cast %swap3A_21 : vector<1x1x512x512xf32> to vector<512x512xf32>
    %swap3A_23 = vector.shape_cast %select_n3A : vector<512x512xf32> to vector<1x1x512x512xf32>
    tpu.vector_store %arg4[%swap3A, %swap3A_18, %swap3A_19, %swap3A_20], %swap3A_23 {strides = array<i32>} : memref<1x1x512x512xf32, #tpu.memory_space<vmem>>, vector<1x1x512x512xf32>,
    return
  }
  func.func @transform_0(%arg0: i32, %arg1: i32) -> (i32, i32, i32, i32) {
    %c0_i32 = arith.constant 0 : i32
    %c0_i32_0 = arith.constant 0 : i32
    %c0_i32_1 = arith.constant 0 : i32
    return %c0_i32, %arg0, %arg1, %c0_i32_0 : i32, i32, i32, i32
  }
  func.func @transform_1(%arg0: i32, %arg1: i32) -> (i32, i32, i32, i32) {
    %c0_i32 = arith.constant 0 : i32
    %c0_i32_0 = arith.constant 0 : i32
    %c0_i32_1 = arith.constant 0 : i32
    %c0_i32_2 = arith.constant 0 : i32
    return %c0_i32, %arg0, %c0_i32_0, %c0_i32_1 : i32, i32, i32, i32
  }
  func.func @transform_2(%arg0: i32, %arg1: i32) -> (i32, i32, i32, i32) {
    %c0_i32 = arith.constant 0 : i32
    %c0_i32_0 = arith.constant 0 : i32
    %c0_i32_1 = arith.constant 0 : i32
    return %c0_i32, %arg0, %arg1, %c0_i32_0 : i32, i32, i32, i32
  }
}

module attributes {stable_mosaic.version = 14 : i64} {
  func.func @_finish_kernel(%arg0: i32, %arg1: i32, %arg2: memref<1x1x512x512xf32, #tpu.memory_space<vmem>>, %arg3: memref<1x1x512x16xf32, #tpu.memory_space<vmem>>, %arg4: memref<1x1x512x64xf32, #tpu.memory_space<vmem>>, %arg5: memref<1x1x512x64xf32, #tpu.memory_space<vmem>>) attributes {dimension_semantics = [#tpu.dimension_semantics<arbitrary>, #tpu.dimension_semantics<arbitrary>], iteration_bounds = array<i64: 12, 4>, scalar_prefetch = 0 : i64, scratch_operands = 0 : i64, tpu.core_type = #tpu.core_type<tc>, window_params = [{transform_indices = @transform_0, window_bounds = array<i64: 1, 1, 512, 512>}, {transform_indices = @transform_1, window_bounds = array<i64: 1, 1, 512, 16>}, {transform_indices = @transform_2, window_bounds = array<i64: 1, 1, 512, 64>}, {transform_indices = @transform_3, window_bounds = array<i64: 1, 1, 512, 64>}]} {
    %get3A = arith.constant 0 : index
    %get3A_0 = arith.constant 0 : index
    %get3A_1 = arith.constant 0 : index
    %get3A_2 = arith.constant 0 : index
    %get3A_3 = vector.load %arg2[%get3A, %get3A_0, %get3A_1, %get3A_2] : memref<1x1x512x512xf32, #tpu.memory_space<vmem>>, vector<1x1x512x512xf32>
    %get3A_4 = vector.shape_cast %get3A_3 : vector<1x1x512x512xf32> to vector<512x512xf32>
    %get3A_5 = arith.constant 0 : index
    %get3A_6 = arith.constant 0 : index
    %get3A_7 = arith.constant 0 : index
    %get3A_8 = arith.constant 0 : index
    %get3A_9 = vector.load %arg3[%get3A_5, %get3A_6, %get3A_7, %get3A_8] : memref<1x1x512x16xf32, #tpu.memory_space<vmem>>, vector<1x1x512x16xf32>
    %get3A_10 = vector.shape_cast %get3A_9 : vector<1x1x512x16xf32> to vector<512x16xf32>
    %slice3A = vector.extract_strided_slice %get3A_10 {offsets = [0, 0], sizes = [512, 1], strides = [1, 1]} : vector<512x16xf32> to vector<512x1xf32>
    %get3A_11 = arith.constant 0 : index
    %get3A_12 = arith.constant 0 : index
    %get3A_13 = arith.constant 0 : index
    %get3A_14 = arith.constant 0 : index
    %get3A_15 = vector.load %arg3[%get3A_11, %get3A_12, %get3A_13, %get3A_14] : memref<1x1x512x16xf32, #tpu.memory_space<vmem>>, vector<1x1x512x16xf32>
    %get3A_16 = vector.shape_cast %get3A_15 : vector<1x1x512x16xf32> to vector<512x16xf32>
    %slice3A_17 = vector.extract_strided_slice %get3A_16 {offsets = [0, 15], sizes = [512, 1], strides = [1, 1]} : vector<512x16xf32> to vector<512x1xf32>
    %get3A_18 = arith.constant 0 : index
    %get3A_19 = arith.constant 0 : index
    %get3A_20 = arith.constant 0 : index
    %get3A_21 = arith.constant 0 : index
    %get3A_22 = vector.load %arg4[%get3A_18, %get3A_19, %get3A_20, %get3A_21] : memref<1x1x512x64xf32, #tpu.memory_space<vmem>>, vector<1x1x512x64xf32>
    %get3A_23 = vector.shape_cast %get3A_22 : vector<1x1x512x64xf32> to vector<512x64xf32>
    %ge3A = vector.broadcast %slice3A : vector<512x1xf32> to vector<512x512xf32>
    %ge3A_24 = arith.cmpf oge, %get3A_4, %ge3A : vector<512x512xf32>
    %sub3A = vector.broadcast %slice3A_17 : vector<512x1xf32> to vector<512x512xf32>
    %sub3A_25 = arith.subf %get3A_4, %sub3A : vector<512x512xf32>
    %exp3A = math.exp %sub3A_25 : vector<512x512xf32>
    %jit3A = arith.constant 0.000000e+00 : f32
    %broadcast_in_dim3A = vector.broadcast %jit3A : f32 to vector<512x512xf32>
    %select_n3A = arith.select %ge3A_24, %exp3A, %broadcast_in_dim3A : vector<512x512xi1>, vector<512x512xf32>
    %reduce_sum3A = arith.constant dense<0.000000e+00> : vector<512xf32>
    %reduce_sum3A_26 = vector.multi_reduction <add>, %select_n3A, %reduce_sum3A [1] : vector<512x512xf32> to vector<512xf32>
    %broadcast_in_dim3A_27 = vector.shape_cast %reduce_sum3A_26 : vector<512xf32> to vector<512x1xf32>
    %dot_general3A = arith.constant dense<0.000000e+00> : vector<512x64xf32>
    %dot_general3A_28 = tpu.matmul %select_n3A, %get3A_23, %dot_general3A {dimension_numbers = #tpu.dot_dimension_numbers<[1], [0], [0], [1], [0, 0, 1, 1], [], []>, transpose_lhs_hint = false} : vector<512x512xf32>, vector<512x64xf32>, vector<512x64xf32> -> vector<512x64xf32>
    %div3A = vector.broadcast %broadcast_in_dim3A_27 : vector<512x1xf32> to vector<512x64xf32>
    %div3A_29 = arith.divf %dot_general3A_28, %div3A : vector<512x64xf32>
    %swap3A = arith.constant 0 : index
    %swap3A_30 = arith.constant 0 : index
    %swap3A_31 = arith.constant 0 : index
    %swap3A_32 = arith.constant 0 : index
    %swap3A_33 = vector.load %arg5[%swap3A, %swap3A_30, %swap3A_31, %swap3A_32] : memref<1x1x512x64xf32, #tpu.memory_space<vmem>>, vector<1x1x512x64xf32>
    %swap3A_34 = vector.shape_cast %swap3A_33 : vector<1x1x512x64xf32> to vector<512x64xf32>
    %swap3A_35 = vector.shape_cast %div3A_29 : vector<512x64xf32> to vector<1x1x512x64xf32>
    tpu.vector_store %arg5[%swap3A, %swap3A_30, %swap3A_31, %swap3A_32], %swap3A_35 {strides = array<i32>} : memref<1x1x512x64xf32, #tpu.memory_space<vmem>>, vector<1x1x512x64xf32>,
    return
  }
  func.func @transform_0(%arg0: i32, %arg1: i32) -> (i32, i32, i32, i32) {
    %c0_i32 = arith.constant 0 : i32
    %c0_i32_0 = arith.constant 0 : i32
    %c0_i32_1 = arith.constant 0 : i32
    return %c0_i32, %arg0, %arg1, %c0_i32_0 : i32, i32, i32, i32
  }
  func.func @transform_1(%arg0: i32, %arg1: i32) -> (i32, i32, i32, i32) {
    %c0_i32 = arith.constant 0 : i32
    %c0_i32_0 = arith.constant 0 : i32
    %c0_i32_1 = arith.constant 0 : i32
    return %c0_i32, %arg0, %arg1, %c0_i32_0 : i32, i32, i32, i32
  }
  func.func @transform_2(%arg0: i32, %arg1: i32) -> (i32, i32, i32, i32) {
    %c0_i32 = arith.constant 0 : i32
    %c0_i32_0 = arith.constant 0 : i32
    %c0_i32_1 = arith.constant 0 : i32
    %c0_i32_2 = arith.constant 0 : i32
    return %c0_i32, %arg0, %c0_i32_0, %c0_i32_1 : i32, i32, i32, i32
  }
  func.func @transform_3(%arg0: i32, %arg1: i32) -> (i32, i32, i32, i32) {
    %c0_i32 = arith.constant 0 : i32
    %c0_i32_0 = arith.constant 0 : i32
    %c0_i32_1 = arith.constant 0 : i32
    return %c0_i32, %arg0, %arg1, %c0_i32_0 : i32, i32, i32, i32
  }
}

</mosaic_0001>

<sc_bundles>
// kernel: kernel.5.cloned.1.call-start
scs
__scs_entry_jumppad:
0x0: {  	(pc) =	sbr.rel $0x88, $3  }
0x1: {  	(tag) =	ssettag $0x0;
	lr =	simm.s32 $0x1  }
0x2: {  	[smem:$0x3F9E] =	sst lr;
	_ =	strace $0xD0000000  }
0x3: {  	_ = 	snop  }
0x4: {  	_ = 	snop  }
0x5: {  	_ = 	snop  }
0x6: {  	_ = 	snop  }
0x7: {  	_ = 	snop  }
__scs_overlays_trampoline_lowered:
0x8: {  	[smem:$0x3FAD] =	sst s0  }
0x9: {  	[smem:$0x3FAE] =	sst s1  }
0xa: {  	[smem:$0x3FAF] =	sst s2  }
0xb: {  	[smem:$0x3FB0] =	sst s3  }
0xc: {  	[smem:$0x3FB1] =	sst s4  }
0xd: {  	[smem:$0x3FB2] =	sst s5  }
0xe: {  	[smem:$0x3FB3] =	sst s6  }
0xf: {  	[smem:$0x3FB4] =	sst s7  }
0x10: {  	[smem:$0x3FB5] =	sst s8  }
0x11: {  	[smem:$0x3FB6] =	sst s9;
	s0 =	simm.s32 @!p0 $0x0  }
0x12: {  	s1 =	sld [smem:$0x3F9C];
	s0 =	simm.s32 @p0 $0x1  }
0x13: {  	[smem:$0x3FB7] =	sst s0;
	s0 =	simm.s32 @!p1 $0x0  }
0x14: {  	s2 =	sld [smem:$0x3F9B];
	s0 =	simm.s32 @p1 $0x1  }
0x15: {  	[smem:$0x3FB8] =	sst s0;
	s0 =	simm.s32 @!p2 $0x0  }
0x16: {  	s3 =	sld [smem:$0x3FDB];
	s0 =	simm.s32 @p2 $0x1  }
0x17: {  	s4 =	simm.s32 $0x1BF5;
	[smem:$0x3FBA] =	sst s0  }
0x18: {  	s0 =	sld [smem:$0x3F9D];
	_ =	swait.ge [sflag:s4], $0x0  }
0x19: {  	s7 =	sld [smem:$0x3F9E]  }
0x1a: {  	s8 =	sadd.s32 $0xFFFFE003, lr  }
0x1b: {  	s9 =	sadd.s32 $0xFFFFFEF7, lr;
	s5 =	simm.s32 $0xFFFFFFFF;
	p2 =	slt.u32 s8, $0xFFFFF086  }
0x1c: {  	p1 =	slt.u32 s9, $0xF7A;
	s5 =	simm.s32 @!p2 $0x0  }
0x1d: {  	s5 =	simm.s32 @p1 $0x1;
	p0 =	seq.s32 s7, s2  }
0x1e: {  	s7 =	smul.u32 @!p0 $0xF7A, s2;
	p2 =	seq.s32 @!p0 s5, $0x0  }
0x1f: {  	s9 =	smul.u32 $0xF7A, s1;
	s8 =	simm.s32 @!p0 $0x1BF5;
	p2 =	por !p2, p0  }
0x20: {  	[sflag:s8] =	ssyncset.s32 @!p0 $0xFFFFF086;
	s6 =	sadd.s32 @!p0 s3, s7;
	s7 =	simm.s32 @!p0 $0x108  }
0x21: {  	s3 =	sadd.s32 s3, s9;
	s6 =	sadd.s32 @!p0 $0x88, s6;
	s7 =	simm.s32 @p2 $0x1082  }
0x22: {  	[simem:s7], [sflag:s8] =	dma.local @!p0 [hbm:s6], $0xF7A  }
0x23: {  	s9 =	sor.u32 $0xD0000000, s2;
	s6 =	simm.s32 $0x108;
	_ =	swait.ge @!p0 [sflag:s8], $0x0  }
0x24: {  	s3 =	sadd.s32 $0x88, s3;
	s6 =	simm.s32 @!p1 $0x1082;
	[sflag:s4] =	ssyncset.s32 $0xFFFFF086  }
0x25: {  	[simem:s6], [sflag:s4] =	dma.local [hbm:s3], $0xF7A  }
0x26: {  	[smem:$0x3F9E] =	sst s1;
	(tag) =	ssettag s2;
	_ =	strace s9  }
0x27: {  	s1 =	sld [smem:$0x3FAE]  }
0x28: {  	s2 =	sld [smem:$0x3FAF]  }
0x29: {  	s4 =	sld [smem:$0x3FB1]  }
0x2a: {  	p0 =	seq.s32 s5, $0x0;
	s5 =	sld [smem:$0x3FB2]  }
0x2b: {  	s6 =	sld [smem:$0x3FB3]  }
0x2c: {  	s7 =	sld [smem:$0x3FB4]  }
0x2d: {  	s3 =	simm.s32 $0x108;
	s8 =	sld [smem:$0x3FB5]  }
0x2e: {  	s3 =	simm.s32 @!p0 $0x1082;
	s9 =	sld [smem:$0x3FB6]  }
0x2f: {  	lr =	sadd.s32 s0, s3;
	s0 =	sld [smem:$0x3FAD]  }
0x30: {  	s3 =	sld [smem:$0x3FB0]  }
0x31: {  	[smem:$0x3FB9] =	sst s10  }
0x32: {  	s10 =	sld [smem:$0x3FB7];
	_ =	sdelay $0x3  }
0x33: {  	p0 =	seq.s32 s10, $0x1;
	s10 =	sld [smem:$0x3FB9];
	_ =	sdelay $0x3  }
0x34: {  	[smem:$0x3FB9] =	sst s10  }
0x35: {  	s10 =	sld [smem:$0x3FB8];
	_ =	sdelay $0x3  }
0x36: {  	p1 =	seq.s32 s10, $0x1;
	s10 =	sld [smem:$0x3FB9];
	_ =	sdelay $0x3  }
0x37: {  	[smem:$0x3FB9] =	sst s10  }
0x38: {  	s10 =	sld [smem:$0x3FBA]  }
0x39: {  	_ = 	snop;
	(pc) =	sbr.ind lr, $3  }
0x3a: {  	_ = 	snop  }
0x3b: {  	_ = 	snop  }
0x3c: {  	p2 =	seq.s32 s10, $0x1;
	s10 =	sld [smem:$0x3FB9]  }
0x3d: {  	_ =	shalt  }
0x3e: {  	_ =	shalt  }
0x3f: {  	_ =	shalt  }
0x40: {  	_ =	shalt  }
0x41: {  	_ =	shalt  }
0x42: {  	_ =	shalt  }
0x43: {  	_ =	shalt  }
0x44: {  	_ =	shalt  }
0x45: {  	_ =	shalt  }
0x46: {  	_ =	shalt  }
0x47: {  	_ =	shalt  }
0x48: {  	_ =	shalt  }
0x49: {  	_ =	shalt  }
0x4a: {  	_ =	shalt  }
0x4b: {  	_ =	shalt  }
0x4c: {  	_ =	shalt  }
0x4d: {  	_ =	shalt  }
0x4e: {  	_ =	shalt  }
0x4f: {  	_ =	shalt  }
0x50: {  	_ =	shalt  }
0x51: {  	_ =	shalt  }
0x52: {  	_ =	shalt  }
0x53: {  	_ =	shalt  }
0x54: {  	_ =	shalt  }
0x55: {  	_ =	shalt  }
0x56: {  	_ =	shalt  }
0x57: {  	_ =	shalt  }
0x58: {  	_ =	shalt  }
0x59: {  	_ =	shalt  }
0x5a: {  	_ =	shalt  }
0x5b: {  	_ =	shalt  }
0x5c: {  	_ =	shalt  }
0x5d: {  	_ =	shalt  }
0x5e: {  	_ =	shalt  }
0x5f: {  	_ =	shalt  }
0x60: {  	_ =	shalt  }
0x61: {  	_ =	shalt  }
0x62: {  	_ =	shalt  }
0x63: {  	_ =	shalt  }
0x64: {  	_ =	shalt  }
0x65: {  	_ =	shalt  }
0x66: {  	_ =	shalt  }
0x67: {  	_ =	shalt  }
0x68: {  	_ =	shalt  }
0x69: {  	_ =	shalt  }
0x6a: {  	_ =	shalt  }
0x6b: {  	_ =	shalt  }
0x6c: {  	_ =	shalt  }
0x6d: {  	_ =	shalt  }
0x6e: {  	_ =	shalt  }
0x6f: {  	_ =	shalt  }
0x70: {  	_ =	shalt  }
0x71: {  	_ =	shalt  }
0x72: {  	_ =	shalt  }
0x73: {  	_ =	shalt  }
0x74: {  	_ =	shalt  }
0x75: {  	_ =	shalt  }
0x76: {  	_ =	shalt  }
0x77: {  	_ =	shalt  }
0x78: {  	_ =	shalt  }
0x79: {  	_ =	shalt  }
0x7a: {  	_ =	shalt  }
0x7b: {  	_ =	shalt  }
0x7c: {  	_ =	shalt  }
0x7d: {  	_ =	shalt  }
0x7e: {  	_ =	shalt  }
0x7f: {  	_ =	shalt  }
0x80: {  	_ =	shalt  }
0x81: {  	_ =	shalt  }
0x82: {  	_ =	shalt  }
0x83: {  	_ =	shalt  }
0x84: {  	_ =	shalt  }
0x85: {  	_ =	shalt  }
0x86: {  	_ =	shalt  }
0x87: {  	_ =	shalt  }
.Lfunc_end0:
.L_simem_size_0:
called_computation_lowered:
.L_overlay_start_0:
0x88: {  	s2 =	sld [smem:$0x3FD9]  }
0x89: {  	s3 =	sld [smem:$0x3FFE];
	_ =	sdelay $0x1  }
0x8a: {  	s1 =	srdreg.scid  }
0x8b: {  	s0 =	sand.u32 $0x1, s1  }
0x8c: {  	s16 =	sshll.u32 s0, $0xA;
	s2 =	sadd.s32 s3, s2  }
0x8d: {  	s2 =	sadd.s32 s2, s16  }
0x8e: {  	[smem:$0x3FC5] =	sst s2  }
0x8f: {  	_ = 	snop  }
0x90: {  	(tm) =	ssettm $0x1  }
0x91: {  	s17 =	sld [smem:$0x3FFB];
	_ =	sdelay $0x3  }
0x92: {  	_ =	strace s17  }
0x93: {  	s2 =	sld [smem:$0x3FFC];
	_ =	sdelay $0x3  }
0x94: {  	_ =	strace s2  }
0x95: {  	s2 =	sld [smem:$0x3FFD];
	_ =	sdelay $0x3  }
0x96: {  	_ =	strace s2  }
0x97: {  	_ =	strace $0x8FFFFFFF  }
0x98: {  	s18 =	sld [smem:$0x3FDB];
	_ =	sdelay $0x1  }
0x99: {  	s19 =	simm.s32 $_scs_section_size  }
0x9a: {  	s4 =	simm.s32 $_size__tile_overlayer_lowered;
	s5 =	simm.s32 $_tile_overlayer_lowered  }
0x9b: {  	s22 =	simm.s32 $0x1BFF;
	s21 =	sshll.u32 s5, $0x1;
	s2 =	sadd.s32 s19, s18  }
0x9c: {  	s6 =	simm.s32 $0x0;
	s20 =	sshll.u32 s4, $0x1;
	s4 =	sadd.s32 s21, s2  }
0x9d: {  	[timem:s6], [sflag:s22] =	dma.local [hbm:s4], s20  }
0x9e: {  	_ =	swait.ge [sflag:s22], s20  }
0x9f: {  	s3 =	ssub.s32 $0x0, s20;
	[sflag:s22] =	ssyncset.done $0x0  }
0xa0: {  	[sflag:s22] =	ssyncadd.s32 s3;
	_ =	sdelay $0x1  }
0xa1: {  	s23 =	simm.s32 $0x1B8B  }
0xa2: {  	_ =	swait.ge [sflag:s23], $0x1  }
0xa3: {  	[sflag:s23] =	ssyncset.done $0x0  }
0xa4: {  	s25 =	simm.s32 $0x1B8E;
	s24 =	sld [smem:$0x3FFE];
	[sflag:s23] =	ssyncadd.s32 $0xFFFFFFFF  }
0xa5: {  	s26 =	simm.s32 $execute0_lowered;
	[smem:$0x3FD2] =	sst s25  }
0xa6: {  	s4 =	sshll.u32 s26, $0x1;
	_ =	strace $0x80000046;
	[dreg:$0x1] =	wrdreg $0xFFFFFFFF  }
0xa7: {  	s28 =	simm.s32 $_size_execute0_lowered;
	s2 =	sadd.s32 s2, s4;
	[dreg:$0x0] =	wrdreg $0x0  }
0xa8: {  	s4 =	sshll.u32 s28, $0x1;
	[dreg:$0x2] =	wrdreg s2  }
0xa9: {  	[dreg:$0x3] =	wrdreg s4  }
0xaa: {  	[dreg:$0x4] =	wrdreg $0xC0  }
0xab: {  	_ =	task [dreg:s6], $0x5FFFF  }
0xac: {  	[dreg:$0x1] =	wrdreg $0xFFFFFFFF  }
0xad: {  	[dreg:$0x0] =	wrdreg $0x60  }
0xae: {  	[dreg:$0x2] =	wrdreg s24  }
0xaf: {  	[dreg:$0x3] =	wrdreg $0x9  }
0xb0: {  	_ =	task.clear_ibuf [dreg:s6], $0x4FFFF;
	_ =	strace $0x90000046  }
0xb1: {  	s29 =	simm.s32 $0x9;
	_ =	strace $0x80000048  }
0xb2: {  	_ =	swait.ge [sflag:s29], $0x1  }
0xb3: {  	[sflag:s29] =	ssyncadd.s32 $0xFFFFFFFF  }
0xb4: {  	_ =	strace $0x90000048  }
0xb5: {  	_ =	sfence  }
0xb6: {  	s30 =	sld [smem:$0x0];
	_ =	sdelay $0x2  }
0xb7: {  	s31 =	sshll.u32 s1, $0xD;
	s1 =	sshrl.u32 s1, $0x2  }
0xb8: {  	s3 =	sand.u32 $0x4000, s31;
	s1 =	sadd.s32 s1, s30  }
0xb9: {  	s0 =	sor.u32 s3, s0;
	s1 =	sshll.u32 s1, $0x11  }
0xba: {  	s0 =	sor.u32 s1, s0  }
0xbb: {  	s0 =	sadd.s32 $0x8F2B, s0  }
0xbc: {  	[sflag:s0] =	ssyncadd.remote.s32 $0x1  }
0xbd: {  	_ =	sfence.sel $0xFFFF  }
0xbe: {  	[dreg:$0x0] =	wrdreg $0xFFFFFFFF;
	(pc) =	sbr.abs _section_cstart, $3  }
0xbf: {  	[dreg:$0x1] =	wrdreg $0xFFFFFFFF  }
0xc0: {  	_ =	task.clear_ibuf [dreg:s6], $0x2FFFF;
	_ =	strace $0x9FFFFFFF  }
0xc1: {  	(tm) =	ssettm $0x7FFFFFFF  }
tec
execute0_lowered:
.L_overlay_start_1:
0x0: {  	(tag) =	ssettag $0x1  }
0x1: {  	s4 =	rddreg [dreg:$0x0];
	s1 =	srdreg.scid  }
0x2: {  	s0 =	rddreg [dreg:$0x1];
	s2 =	simm.s32 $0x0;
	s9 =	simm.s32 $0x0  }
0x3: {  	s5 =	sand.u32 $0x1, s1;
	[smem:$0x7FF] =	sst s2;
	s1 =	stileid.u32  }
0x4: {  	v0 =	vlaneseq.u32;
	s3 =	sadd.s32 $0x600, s4;
	s4 =	sadd.s32 $0x180600, s4;
	s6 =	ssub.s32 $0x2, s5  }
0x5: {  	v0 =	vmul.u32 $0xFFFFFFFF, v0;
	_ =	strace $0x80000047;
	s8 =	sshll.u32 s1, $0x1;
	s7 =	sshrl.u32 s6, $0x1  }
0x6: {  	s5 =	sor.u32 s5, s8;
	s8 =	simm.s32 $0x8000;
	s6 =	ssub.s32 s6, s7  }
0x7: {  	v0 =	vadd.s32 $0xF, v0;
	s5 =	smul.u32 $0x300, s5;
	s7 =	simm.s32 $0x1;
	s6 =	smax.u32 s6, $0x1  }
.LBB2_1:
0x8: {  	s10 =	simm.s32 $0x0  }
.LBB2_2:
0x9: {  	s11 =	sshll.u32 s10, $0x6  }
0xa: {  	s11 =	sadd.s32 s5, s11  }
0xb: {  	s12 =	sshll.u32 s11, $0x6  }
0xc: {  	s13 =	simm.s32 $0x0;
	s12 =	sadd.s32 s3, s12  }
0xd: {  	[tilespmem:s13], [sflag:$0x1] =	stream.linear.gather [hbm4b:s12+s13], $0x8000, $0x38;
	[tilespmem:$0xA000] =	vst v63  }
0xe: {  	_ =	swait.ge [sflag:s7], $0x8000  }
0xf: {  	s31 =	sand.u32 $0x7000, s13;
	s13 =	sand.u32 $0x380, s13;
	[sflag:s7] =	ssyncset.done $0x0  }
0x10: {  	s12 =	sor.u32 s13, s31;
	[sflag:s7] =	ssyncadd.s32 $0xFFFF8000  }
0x11: {  	v1 =	vld [tilespmem:s12+$0x10];
	_ =	sdelay $0x1  }
0x12: {  	v2 =	vld [tilespmem:s12+$0x0];
	_ =	sdelay $0x2  }
0x13: {  	(xrf1) =	vsort.ascd.msk.f32 $0xffff, v1, v1;
	_ =	sdelay $0x1  }
0x14: {  	(xrf1) =	vsort.ascd.msk.f32 $0xffff, v2, v2;
	_ =	sdelay $0x8  }
0x15: {  	v1 =	vld [tilespmem:s12+$0x20];
	_ =	sdelay $0x2  }
0x16: {  	v2, _, _ =	vpop (xrf1)  }
0x17: {  	v2 =	vperm.xlane v2, v0  }
0x18: {  	(xrf1) =	vsort.ascd.msk.f32 $0xffff, v1, v1;
	v3, _, _ =	vpop (xrf1)  }
0x19: {  	v1 =	vmax.f32 v3, v2  }
0x1a: {  	(xrf1) =	vsort.ascd.msk.f32 $0xffff, v1, v1;
	_ =	sdelay $0x8  }
0x1b: {  	v1 =	vld [tilespmem:s12+$0x30];
	_ =	sdelay $0x2  }
0x1c: {  	v2, _, _ =	vpop (xrf1)  }
0x1d: {  	v2 =	vperm.xlane v2, v0  }
0x1e: {  	(xrf1) =	vsort.ascd.msk.f32 $0xffff, v1, v1;
	v3, _, _ =	vpop (xrf1)  }
0x1f: {  	v1 =	vmax.f32 v3, v2  }
0x20: {  	(xrf1) =	vsort.ascd.msk.f32 $0xffff, v1, v1;
	_ =	sdelay $0x8  }
0x21: {  	v1 =	vld [tilespmem:s12+$0x40];
	_ =	sdelay $0x2  }
0x22: {  	v2, _, _ =	vpop (xrf1)  }
0x23: {  	v2 =	vperm.xlane v2, v0  }
0x24: {  	(xrf1) =	vsort.ascd.msk.f32 $0xffff, v1, v1;
	v3, _, _ =	vpop (xrf1)  }
0x25: {  	v1 =	vmax.f32 v3, v2  }
0x26: {  	(xrf1) =	vsort.ascd.msk.f32 $0xffff, v1, v1;
	_ =	sdelay $0x8  }
0x27: {  	v1 =	vld [tilespmem:s12+$0x50];
	_ =	sdelay $0x2  }
0x28: {  	v2, _, _ =	vpop (xrf1)  }
0x29: {  	v2 =	vperm.xlane v2, v0  }
0x2a: {  	(xrf1) =	vsort.ascd.msk.f32 $0xffff, v1, v1;
	v3, _, _ =	vpop (xrf1)  }
0x2b: {  	v1 =	vmax.f32 v3, v2  }
0x2c: {  	(xrf1) =	vsort.ascd.msk.f32 $0xffff, v1, v1;
	_ =	sdelay $0x8  }
0x2d: {  	v1 =	vld [tilespmem:s12+$0x60];
	_ =	sdelay $0x2  }
0x2e: {  	v2, _, _ =	vpop (xrf1)  }
0x2f: {  	v2 =	vperm.xlane v2, v0  }
0x30: {  	(xrf1) =	vsort.ascd.msk.f32 $0xffff, v1, v1;
	v3, _, _ =	vpop (xrf1)  }
0x31: {  	v1 =	vmax.f32 v3, v2  }
0x32: {  	(xrf1) =	vsort.ascd.msk.f32 $0xffff, v1, v1;
	_ =	sdelay $0x8  }
0x33: {  	v1 =	vld [tilespmem:s12+$0x70];
	_ =	sdelay $0x2  }
0x34: {  	v2, _, _ =	vpop (xrf1)  }
0x35: {  	v2 =	vperm.xlane v2, v0  }
0x36: {  	(xrf1) =	vsort.ascd.msk.f32 $0xffff, v1, v1;
	v3, _, _ =	vpop (xrf1)  }
0x37: {  	v1 =	vmax.f32 v3, v2  }
0x38: {  	(xrf1) =	vsort.ascd.msk.f32 $0xffff, v1, v1;
	_ =	sdelay $0x8  }
0x39: {  	v1 =	vld [tilespmem:s12+$0x400];
	_ =	sdelay $0x2  }
0x3a: {  	v2, _, _ =	vpop (xrf1)  }
0x3b: {  	v2 =	vperm.xlane v2, v0  }
0x3c: {  	(xrf1) =	vsort.ascd.msk.f32 $0xffff, v1, v1;
	v3, _, _ =	vpop (xrf1)  }
0x3d: {  	v1 =	vmax.f32 v3, v2  }
0x3e: {  	(xrf1) =	vsort.ascd.msk.f32 $0xffff, v1, v1;
	_ =	sdelay $0x8  }
0x3f: {  	v1 =	vld [tilespmem:s12+$0x410];
	_ =	sdelay $0x2  }
0x40: {  	v2, _, _ =	vpop (xrf1)  }
0x41: {  	v2 =	vperm.xlane v2, v0  }
0x42: {  	(xrf1) =	vsort.ascd.msk.f32 $0xffff, v1, v1;
	v3, _, _ =	vpop (xrf1)  }
0x43: {  	v1 =	vmax.f32 v3, v2  }
0x44: {  	(xrf1) =	vsort.ascd.msk.f32 $0xffff, v1, v1;
	_ =	sdelay $0x8  }
0x45: {  	v1 =	vld [tilespmem:s12+$0x420];
	_ =	sdelay $0x2  }
0x46: {  	v2, _, _ =	vpop (xrf1)  }
0x47: {  	v2 =	vperm.xlane v2, v0  }
0x48: {  	(xrf1) =	vsort.ascd.msk.f32 $0xffff, v1, v1;
	v3, _, _ =	vpop (xrf1)  }
0x49: {  	v1 =	vmax.f32 v3, v2  }
0x4a: {  	(xrf1) =	vsort.ascd.msk.f32 $0xffff, v1, v1;
	_ =	sdelay $0x8  }
0x4b: {  	v1 =	vld [tilespmem:s12+$0x430];
	_ =	sdelay $0x2  }
0x4c: {  	v2, _, _ =	vpop (xrf1)  }
0x4d: {  	v2 =	vperm.xlane v2, v0  }
0x4e: {  	(xrf1) =	vsort.ascd.msk.f32 $0xffff, v1, v1;
	v3, _, _ =	vpop (xrf1)  }
0x4f: {  	v1 =	vmax.f32 v3, v2  }
0x50: {  	(xrf1) =	vsort.ascd.msk.f32 $0xffff, v1, v1;
	_ =	sdelay $0x8  }
0x51: {  	v1 =	vld [tilespmem:s12+$0x440];
	_ =	sdelay $0x2  }
0x52: {  	v2, _, _ =	vpop (xrf1)  }
0x53: {  	v2 =	vperm.xlane v2, v0  }
0x54: {  	(xrf1) =	vsort.ascd.msk.f32 $0xffff, v1, v1;
	v3, _, _ =	vpop (xrf1)  }
0x55: {  	v1 =	vmax.f32 v3, v2  }
0x56: {  	(xrf1) =	vsort.ascd.msk.f32 $0xffff, v1, v1;
	_ =	sdelay $0x8  }
0x57: {  	v1 =	vld [tilespmem:s12+$0x450];
	_ =	sdelay $0x2  }
0x58: {  	v2, _, _ =	vpop (xrf1)  }
0x59: {  	v2 =	vperm.xlane v2, v0  }
0x5a: {  	(xrf1) =	vsort.ascd.msk.f32 $0xffff, v1, v1;
	v3, _, _ =	vpop (xrf1)  }
0x5b: {  	v1 =	vmax.f32 v3, v2  }
0x5c: {  	(xrf1) =	vsort.ascd.msk.f32 $0xffff, v1, v1;
	_ =	sdelay $0x8  }
0x5d: {  	v1 =	vld [tilespmem:s12+$0x460];
	_ =	sdelay $0x2  }
0x5e: {  	v2, _, _ =	vpop (xrf1)  }
0x5f: {  	v2 =	vperm.xlane v2, v0  }
0x60: {  	(xrf1) =	vsort.ascd.msk.f32 $0xffff, v1, v1;
	v3, _, _ =	vpop (xrf1)  }
0x61: {  	v1 =	vmax.f32 v3, v2  }
0x62: {  	(xrf1) =	vsort.ascd.msk.f32 $0xffff, v1, v1;
	_ =	sdelay $0x8  }
0x63: {  	v1 =	vld [tilespmem:s12+$0x470];
	_ =	sdelay $0x2  }
0x64: {  	v2, _, _ =	vpop (xrf1)  }
0x65: {  	v2 =	vperm.xlane v2, v0  }
0x66: {  	(xrf1) =	vsort.ascd.msk.f32 $0xffff, v1, v1;
	v3, _, _ =	vpop (xrf1)  }
0x67: {  	v1 =	vmax.f32 v3, v2  }
0x68: {  	(xrf1) =	vsort.ascd.msk.f32 $0xffff, v1, v1;
	_ =	sdelay $0x8  }
0x69: {  	v1 =	vld [tilespmem:s12+$0x800];
	_ =	sdelay $0x2  }
0x6a: {  	v2, _, _ =	vpop (xrf1)  }
0x6b: {  	v2 =	vperm.xlane v2, v0  }
0x6c: {  	(xrf1) =	vsort.ascd.msk.f32 $0xffff, v1, v1;
	v3, _, _ =	vpop (xrf1)  }
0x6d: {  	v1 =	vmax.f32 v3, v2  }
0x6e: {  	(xrf1) =	vsort.ascd.msk.f32 $0xffff, v1, v1;
	_ =	sdelay $0x8  }
0x6f: {  	v1 =	vld [tilespmem:s12+$0x810];
	_ =	sdelay $0x2  }
0x70: {  	v2, _, _ =	vpop (xrf1)  }
0x71: {  	v2 =	vperm.xlane v2, v0  }
0x72: {  	(xrf1) =	vsort.ascd.msk.f32 $0xffff, v1, v1;
	v3, _, _ =	vpop (xrf1)  }
0x73: {  	v1 =	vmax.f32 v3, v2  }
0x74: {  	(xrf1) =	vsort.ascd.msk.f32 $0xffff, v1, v1;
	_ =	sdelay $0x8  }
0x75: {  	v1 =	vld [tilespmem:s12+$0x820];
	_ =	sdelay $0x2  }
0x76: {  	v2, _, _ =	vpop (xrf1)  }
0x77: {  	v2 =	vperm.xlane v2, v0  }
0x78: {  	(xrf1) =	vsort.ascd.msk.f32 $0xffff, v1, v1;
	v3, _, _ =	vpop (xrf1)  }
0x79: {  	v1 =	vmax.f32 v3, v2  }
0x7a: {  	(xrf1) =	vsort.ascd.msk.f32 $0xffff, v1, v1;
	_ =	sdelay $0x8  }
0x7b: {  	v1 =	vld [tilespmem:s12+$0x830];
	_ =	sdelay $0x2  }
0x7c: {  	v2, _, _ =	vpop (xrf1)  }
0x7d: {  	v2 =	vperm.xlane v2, v0  }
0x7e: {  	(xrf1) =	vsort.ascd.msk.f32 $0xffff, v1, v1;
	v3, _, _ =	vpop (xrf1)  }
0x7f: {  	v1 =	vmax.f32 v3, v2  }
0x80: {  	(xrf1) =	vsort.ascd.msk.f32 $0xffff, v1, v1;
	_ =	sdelay $0x8  }
0x81: {  	v1 =	vld [tilespmem:s12+$0x840];
	_ =	sdelay $0x2  }
0x82: {  	v2, _, _ =	vpop (xrf1)  }
0x83: {  	v2 =	vperm.xlane v2, v0  }
0x84: {  	(xrf1) =	vsort.ascd.msk.f32 $0xffff, v1, v1;
	v3, _, _ =	vpop (xrf1)  }
0x85: {  	v1 =	vmax.f32 v3, v2  }
0x86: {  	(xrf1) =	vsort.ascd.msk.f32 $0xffff, v1, v1;
	_ =	sdelay $0x8  }
0x87: {  	v1 =	vld [tilespmem:s12+$0x850];
	_ =	sdelay $0x2  }
0x88: {  	v2, _, _ =	vpop (xrf1)  }
0x89: {  	v2 =	vperm.xlane v2, v0  }
0x8a: {  	(xrf1) =	vsort.ascd.msk.f32 $0xffff, v1, v1;
	v3, _, _ =	vpop (xrf1)  }
0x8b: {  	v1 =	vmax.f32 v3, v2  }
0x8c: {  	(xrf1) =	vsort.ascd.msk.f32 $0xffff, v1, v1;
	_ =	sdelay $0x8  }
0x8d: {  	v1 =	vld [tilespmem:s12+$0x860];
	_ =	sdelay $0x2  }
0x8e: {  	v2, _, _ =	vpop (xrf1)  }
0x8f: {  	v2 =	vperm.xlane v2, v0  }
0x90: {  	(xrf1) =	vsort.ascd.msk.f32 $0xffff, v1, v1;
	v3, _, _ =	vpop (xrf1)  }
0x91: {  	v1 =	vmax.f32 v3, v2  }
0x92: {  	(xrf1) =	vsort.ascd.msk.f32 $0xffff, v1, v1;
	_ =	sdelay $0x8  }
0x93: {  	v1 =	vld [tilespmem:s12+$0x870];
	_ =	sdelay $0x2  }
0x94: {  	v2, _, _ =	vpop (xrf1)  }
0x95: {  	v2 =	vperm.xlane v2, v0  }
0x96: {  	(xrf1) =	vsort.ascd.msk.f32 $0xffff, v1, v1;
	v3, _, _ =	vpop (xrf1)  }
0x97: {  	v1 =	vmax.f32 v3, v2  }
0x98: {  	(xrf1) =	vsort.ascd.msk.f32 $0xffff, v1, v1;
	_ =	sdelay $0x8  }
0x99: {  	v1 =	vld [tilespmem:s12+$0xC00];
	_ =	sdelay $0x2  }
0x9a: {  	v2, _, _ =	vpop (xrf1)  }
0x9b: {  	v2 =	vperm.xlane v2, v0  }
0x9c: {  	(xrf1) =	vsort.ascd.msk.f32 $0xffff, v1, v1;
	v3, _, _ =	vpop (xrf1)  }
0x9d: {  	v1 =	vmax.f32 v3, v2  }
0x9e: {  	(xrf1) =	vsort.ascd.msk.f32 $0xffff, v1, v1;
	_ =	sdelay $0x8  }
0x9f: {  	v1 =	vld [tilespmem:s12+$0xC10];
	_ =	sdelay $0x2  }
0xa0: {  	v2, _, _ =	vpop (xrf1)  }
0xa1: {  	v2 =	vperm.xlane v2, v0  }
0xa2: {  	(xrf1) =	vsort.ascd.msk.f32 $0xffff, v1, v1;
	v3, _, _ =	vpop (xrf1)  }
0xa3: {  	v1 =	vmax.f32 v3, v2  }
0xa4: {  	(xrf1) =	vsort.ascd.msk.f32 $0xffff, v1, v1;
	_ =	sdelay $0x8  }
0xa5: {  	v1 =	vld [tilespmem:s12+$0xC20];
	_ =	sdelay $0x2  }
0xa6: {  	v2, _, _ =	vpop (xrf1)  }
0xa7: {  	v2 =	vperm.xlane v2, v0  }
0xa8: {  	(xrf1) =	vsort.ascd.msk.f32 $0xffff, v1, v1;
	v3, _, _ =	vpop (xrf1)  }
0xa9: {  	v1 =	vmax.f32 v3, v2  }
0xaa: {  	(xrf1) =	vsort.ascd.msk.f32 $0xffff, v1, v1;
	_ =	sdelay $0x8  }
0xab: {  	v1 =	vld [tilespmem:s12+$0xC30];
	_ =	sdelay $0x2  }
0xac: {  	v2, _, _ =	vpop (xrf1)  }
0xad: {  	v2 =	vperm.xlane v2, v0  }
0xae: {  	(xrf1) =	vsort.ascd.msk.f32 $0xffff, v1, v1;
	v3, _, _ =	vpop (xrf1)  }
0xaf: {  	v1 =	vmax.f32 v3, v2  }
0xb0: {  	(xrf1) =	vsort.ascd.msk.f32 $0xffff, v1, v1;
	_ =	sdelay $0x8  }
0xb1: {  	v1 =	vld [tilespmem:s12+$0xC40];
	_ =	sdelay $0x2  }
0xb2: {  	v2, _, _ =	vpop (xrf1)  }
0xb3: {  	v2 =	vperm.xlane v2, v0  }
0xb4: {  	(xrf1) =	vsort.ascd.msk.f32 $0xffff, v1, v1;
	v3, _, _ =	vpop (xrf1)  }
0xb5: {  	v1 =	vmax.f32 v3, v2  }
0xb6: {  	(xrf1) =	vsort.ascd.msk.f32 $0xffff, v1, v1;
	_ =	sdelay $0x8  }
0xb7: {  	v1 =	vld [tilespmem:s12+$0xC50];
	_ =	sdelay $0x2  }
0xb8: {  	v2, _, _ =	vpop (xrf1)  }
0xb9: {  	v2 =	vperm.xlane v2, v0  }
0xba: {  	(xrf1) =	vsort.ascd.msk.f32 $0xffff, v1, v1;
	v3, _, _ =	vpop (xrf1)  }
0xbb: {  	v1 =	vmax.f32 v3, v2  }
0xbc: {  	(xrf1) =	vsort.ascd.msk.f32 $0xffff, v1, v1;
	_ =	sdelay $0x8  }
0xbd: {  	v1 =	vld [tilespmem:s12+$0xC60];
	_ =	sdelay $0x2  }
0xbe: {  	v2, _, _ =	vpop (xrf1)  }
0xbf: {  	v2 =	vperm.xlane v2, v0  }
0xc0: {  	(xrf1) =	vsort.ascd.msk.f32 $0xffff, v1, v1;
	v3, _, _ =	vpop (xrf1)  }
0xc1: {  	v1 =	vmax.f32 v3, v2  }
0xc2: {  	(xrf1) =	vsort.ascd.msk.f32 $0xffff, v1, v1;
	_ =	sdelay $0x8  }
0xc3: {  	v1 =	vld [tilespmem:s12+$0xC70];
	_ =	sdelay $0x2  }
0xc4: {  	v2, _, _ =	vpop (xrf1)  }
0xc5: {  	v2 =	vperm.xlane v2, v0  }
0xc6: {  	(xrf1) =	vsort.ascd.msk.f32 $0xffff, v1, v1;
	v3, _, _ =	vpop (xrf1)  }
0xc7: {  	v1 =	vmax.f32 v3, v2  }
0xc8: {  	(xrf1) =	vsort.ascd.msk.f32 $0xffff, v1, v1;
	_ =	sdelay $0xb  }
0xc9: {  	v1, _, _ =	vpop (xrf1)  }
0xca: {  	v1 =	vperm.xlane v1, v0  }
0xcb: {  	v2, _, _ =	vpop (xrf1)  }
0xcc: {  	v1 =	vmax.f32 v2, v1  }
0xcd: {  	(xrf1) =	vsort.ascd.msk.f32 $0xffff, v1, v1;
	_ =	sdelay $0xc  }
0xce: {  	s16 =	simm.s32 $0x0;
	s13 =	simm.s32 $0x80;
	s12 =	simm.s32 $0x200  }
0xcf: {  	s14 =	simm.s32 $0x400;
	s17 =	sand.u32 $0x380, s13;
	s15 =	sand.u32 $0x7000, s12;
	v1, _, _ =	vpop (xrf1)  }
.LBB2_3:
0xd0: {  	p0 =	sne.s32 s14, $0x7E00;
	s15 =	sor.u32 s17, s15;
	[tilespmem:s16+$0x8000] =	vst v1  }
0xd1: {  	v1 =	vld [tilespmem:s15+$0x10];
	_ =	sdelay $0x1  }
0xd2: {  	v2 =	vld [tilespmem:s15+$0x0];
	_ =	sdelay $0x2  }
0xd3: {  	(xrf1) =	vsort.ascd.msk.f32 $0xffff, v1, v1;
	_ =	sdelay $0x1  }
0xd4: {  	(xrf1) =	vsort.ascd.msk.f32 $0xffff, v2, v2;
	_ =	sdelay $0x8  }
0xd5: {  	v1 =	vld [tilespmem:s15+$0x20];
	_ =	sdelay $0x2  }
0xd6: {  	v2, _, _ =	vpop (xrf1)  }
0xd7: {  	v2 =	vperm.xlane v2, v0  }
0xd8: {  	v3, _, _ =	vpop (xrf1);
	(xrf1) =	vsort.ascd.msk.f32 $0xffff, v1, v1  }
0xd9: {  	v1 =	vmax.f32 v3, v2  }
0xda: {  	(xrf1) =	vsort.ascd.msk.f32 $0xffff, v1, v1;
	_ =	sdelay $0x8  }
0xdb: {  	v1 =	vld [tilespmem:s15+$0x30];
	_ =	sdelay $0x2  }
0xdc: {  	v2, _, _ =	vpop (xrf1)  }
0xdd: {  	v2 =	vperm.xlane v2, v0  }
0xde: {  	v3, _, _ =	vpop (xrf1);
	(xrf1) =	vsort.ascd.msk.f32 $0xffff, v1, v1  }
0xdf: {  	v1 =	vmax.f32 v3, v2  }
0xe0: {  	(xrf1) =	vsort.ascd.msk.f32 $0xffff, v1, v1;
	_ =	sdelay $0x8  }
0xe1: {  	v1 =	vld [tilespmem:s15+$0x40];
	_ =	sdelay $0x2  }
0xe2: {  	v2, _, _ =	vpop (xrf1)  }
0xe3: {  	v2 =	vperm.xlane v2, v0  }
0xe4: {  	v3, _, _ =	vpop (xrf1);
	(xrf1) =	vsort.ascd.msk.f32 $0xffff, v1, v1  }
0xe5: {  	v1 =	vmax.f32 v3, v2  }
0xe6: {  	(xrf1) =	vsort.ascd.msk.f32 $0xffff, v1, v1;
	_ =	sdelay $0x8  }
0xe7: {  	v1 =	vld [tilespmem:s15+$0x50];
	_ =	sdelay $0x2  }
0xe8: {  	v2, _, _ =	vpop (xrf1)  }
0xe9: {  	v2 =	vperm.xlane v2, v0  }
0xea: {  	v3, _, _ =	vpop (xrf1);
	(xrf1) =	vsort.ascd.msk.f32 $0xffff, v1, v1  }
0xeb: {  	v1 =	vmax.f32 v3, v2  }
0xec: {  	(xrf1) =	vsort.ascd.msk.f32 $0xffff, v1, v1;
	_ =	sdelay $0x8  }
0xed: {  	v1 =	vld [tilespmem:s15+$0x60];
	_ =	sdelay $0x2  }
0xee: {  	v2, _, _ =	vpop (xrf1)  }
0xef: {  	v2 =	vperm.xlane v2, v0  }
0xf0: {  	v3, _, _ =	vpop (xrf1);
	(xrf1) =	vsort.ascd.msk.f32 $0xffff, v1, v1  }
0xf1: {  	v1 =	vmax.f32 v3, v2  }
0xf2: {  	(xrf1) =	vsort.ascd.msk.f32 $0xffff, v1, v1;
	_ =	sdelay $0x8  }
0xf3: {  	v1 =	vld [tilespmem:s15+$0x70];
	_ =	sdelay $0x2  }
0xf4: {  	v2, _, _ =	vpop (xrf1)  }
0xf5: {  	v2 =	vperm.xlane v2, v0  }
0xf6: {  	v3, _, _ =	vpop (xrf1);
	(xrf1) =	vsort.ascd.msk.f32 $0xffff, v1, v1  }
0xf7: {  	v1 =	vmax.f32 v3, v2  }
0xf8: {  	(xrf1) =	vsort.ascd.msk.f32 $0xffff, v1, v1;
	_ =	sdelay $0x8  }
0xf9: {  	v1 =	vld [tilespmem:s15+$0x400];
	_ =	sdelay $0x2  }
0xfa: {  	v2, _, _ =	vpop (xrf1)  }
0xfb: {  	v2 =	vperm.xlane v2, v0  }
0xfc: {  	v3, _, _ =	vpop (xrf1);
	(xrf1) =	vsort.ascd.msk.f32 $0xffff, v1, v1  }
0xfd: {  	v1 =	vmax.f32 v3, v2  }
0xfe: {  	(xrf1) =	vsort.ascd.msk.f32 $0xffff, v1, v1;
	_ =	sdelay $0x8  }
0xff: {  	v1 =	vld [tilespmem:s15+$0x410];
	_ =	sdelay $0x2  }
0x100: {  	v2, _, _ =	vpop (xrf1)  }
0x101: {  	v2 =	vperm.xlane v2, v0  }
0x102: {  	v3, _, _ =	vpop (xrf1);
	(xrf1) =	vsort.ascd.msk.f32 $0xffff, v1, v1  }
0x103: {  	v1 =	vmax.f32 v3, v2  }
0x104: {  	(xrf1) =	vsort.ascd.msk.f32 $0xffff, v1, v1;
	_ =	sdelay $0x8  }
0x105: {  	v1 =	vld [tilespmem:s15+$0x420];
	_ =	sdelay $0x2  }
0x106: {  	v2, _, _ =	vpop (xrf1)  }
0x107: {  	v2 =	vperm.xlane v2, v0  }
0x108: {  	v3, _, _ =	vpop (xrf1);
	(xrf1) =	vsort.ascd.msk.f32 $0xffff, v1, v1  }
0x109: {  	v1 =	vmax.f32 v3, v2  }
0x10a: {  	(xrf1) =	vsort.ascd.msk.f32 $0xffff, v1, v1;
	_ =	sdelay $0x8  }
0x10b: {  	v1 =	vld [tilespmem:s15+$0x430];
	_ =	sdelay $0x2  }
0x10c: {  	v2, _, _ =	vpop (xrf1)  }
0x10d: {  	v2 =	vperm.xlane v2, v0  }
0x10e: {  	v3, _, _ =	vpop (xrf1);
	(xrf1) =	vsort.ascd.msk.f32 $0xffff, v1, v1  }
0x10f: {  	v1 =	vmax.f32 v3, v2  }
0x110: {  	(xrf1) =	vsort.ascd.msk.f32 $0xffff, v1, v1;
	_ =	sdelay $0x8  }
0x111: {  	v1 =	vld [tilespmem:s15+$0x440];
	_ =	sdelay $0x2  }
0x112: {  	v2, _, _ =	vpop (xrf1)  }
0x113: {  	v2 =	vperm.xlane v2, v0  }
0x114: {  	v3, _, _ =	vpop (xrf1);
	(xrf1) =	vsort.ascd.msk.f32 $0xffff, v1, v1  }
0x115: {  	v1 =	vmax.f32 v3, v2  }
0x116: {  	(xrf1) =	vsort.ascd.msk.f32 $0xffff, v1, v1;
	_ =	sdelay $0x8  }
0x117: {  	v1 =	vld [tilespmem:s15+$0x450];
	_ =	sdelay $0x2  }
0x118: {  	v2, _, _ =	vpop (xrf1)  }
0x119: {  	v2 =	vperm.xlane v2, v0  }
0x11a: {  	v3, _, _ =	vpop (xrf1);
	(xrf1) =	vsort.ascd.msk.f32 $0xffff, v1, v1  }
0x11b: {  	v1 =	vmax.f32 v3, v2  }
0x11c: {  	(xrf1) =	vsort.ascd.msk.f32 $0xffff, v1, v1;
	_ =	sdelay $0x8  }
0x11d: {  	v1 =	vld [tilespmem:s15+$0x460];
	_ =	sdelay $0x2  }
0x11e: {  	v2, _, _ =	vpop (xrf1)  }
0x11f: {  	v2 =	vperm.xlane v2, v0  }
0x120: {  	v3, _, _ =	vpop (xrf1);
	(xrf1) =	vsort.ascd.msk.f32 $0xffff, v1, v1  }
0x121: {  	v1 =	vmax.f32 v3, v2  }
0x122: {  	(xrf1) =	vsort.ascd.msk.f32 $0xffff, v1, v1;
	_ =	sdelay $0x8  }
0x123: {  	v1 =	vld [tilespmem:s15+$0x470];
	_ =	sdelay $0x2  }
0x124: {  	v2, _, _ =	vpop (xrf1)  }
0x125: {  	v2 =	vperm.xlane v2, v0  }
0x126: {  	v3, _, _ =	vpop (xrf1);
	(xrf1) =	vsort.ascd.msk.f32 $0xffff, v1, v1  }
0x127: {  	v1 =	vmax.f32 v3, v2  }
0x128: {  	(xrf1) =	vsort.ascd.msk.f32 $0xffff, v1, v1;
	_ =	sdelay $0x8  }
0x129: {  	v1 =	vld [tilespmem:s15+$0x800];
	_ =	sdelay $0x2  }
0x12a: {  	v2, _, _ =	vpop (xrf1)  }
0x12b: {  	v2 =	vperm.xlane v2, v0  }
0x12c: {  	v3, _, _ =	vpop (xrf1);
	(xrf1) =	vsort.ascd.msk.f32 $0xffff, v1, v1  }
0x12d: {  	v1 =	vmax.f32 v3, v2  }
0x12e: {  	(xrf1) =	vsort.ascd.msk.f32 $0xffff, v1, v1;
	_ =	sdelay $0x8  }
0x12f: {  	v1 =	vld [tilespmem:s15+$0x810];
	_ =	sdelay $0x2  }
0x130: {  	v2, _, _ =	vpop (xrf1)  }
0x131: {  	v2 =	vperm.xlane v2, v0  }
0x132: {  	v3, _, _ =	vpop (xrf1);
	(xrf1) =	vsort.ascd.msk.f32 $0xffff, v1, v1  }
0x133: {  	v1 =	vmax.f32 v3, v2  }
0x134: {  	(xrf1) =	vsort.ascd.msk.f32 $0xffff, v1, v1;
	_ =	sdelay $0x8  }
0x135: {  	v1 =	vld [tilespmem:s15+$0x820];
	_ =	sdelay $0x2  }
0x136: {  	v2, _, _ =	vpop (xrf1)  }
0x137: {  	v2 =	vperm.xlane v2, v0  }
0x138: {  	v3, _, _ =	vpop (xrf1);
	(xrf1) =	vsort.ascd.msk.f32 $0xffff, v1, v1  }
0x139: {  	v1 =	vmax.f32 v3, v2  }
0x13a: {  	(xrf1) =	vsort.ascd.msk.f32 $0xffff, v1, v1;
	_ =	sdelay $0x8  }
0x13b: {  	v1 =	vld [tilespmem:s15+$0x830];
	_ =	sdelay $0x2  }
0x13c: {  	v2, _, _ =	vpop (xrf1)  }
0x13d: {  	v2 =	vperm.xlane v2, v0  }
0x13e: {  	v3, _, _ =	vpop (xrf1);
	(xrf1) =	vsort.ascd.msk.f32 $0xffff, v1, v1  }
0x13f: {  	v1 =	vmax.f32 v3, v2  }
0x140: {  	(xrf1) =	vsort.ascd.msk.f32 $0xffff, v1, v1;
	_ =	sdelay $0x8  }
0x141: {  	v1 =	vld [tilespmem:s15+$0x840];
	_ =	sdelay $0x2  }
0x142: {  	v2, _, _ =	vpop (xrf1)  }
0x143: {  	v2 =	vperm.xlane v2, v0  }
0x144: {  	v3, _, _ =	vpop (xrf1);
	(xrf1) =	vsort.ascd.msk.f32 $0xffff, v1, v1  }
0x145: {  	v1 =	vmax.f32 v3, v2  }
0x146: {  	(xrf1) =	vsort.ascd.msk.f32 $0xffff, v1, v1;
	_ =	sdelay $0x8  }
0x147: {  	v1 =	vld [tilespmem:s15+$0x850];
	_ =	sdelay $0x2  }
0x148: {  	v2, _, _ =	vpop (xrf1)  }
0x149: {  	v2 =	vperm.xlane v2, v0  }
0x14a: {  	v3, _, _ =	vpop (xrf1);
	(xrf1) =	vsort.ascd.msk.f32 $0xffff, v1, v1  }
0x14b: {  	v1 =	vmax.f32 v3, v2  }
0x14c: {  	(xrf1) =	vsort.ascd.msk.f32 $0xffff, v1, v1;
	_ =	sdelay $0x8  }
0x14d: {  	v1 =	vld [tilespmem:s15+$0x860];
	_ =	sdelay $0x2  }
0x14e: {  	v2, _, _ =	vpop (xrf1)  }
0x14f: {  	v2 =	vperm.xlane v2, v0  }
0x150: {  	v3, _, _ =	vpop (xrf1);
	(xrf1) =	vsort.ascd.msk.f32 $0xffff, v1, v1  }
0x151: {  	v1 =	vmax.f32 v3, v2  }
0x152: {  	(xrf1) =	vsort.ascd.msk.f32 $0xffff, v1, v1;
	_ =	sdelay $0x8  }
0x153: {  	v1 =	vld [tilespmem:s15+$0x870];
	_ =	sdelay $0x2  }
0x154: {  	v2, _, _ =	vpop (xrf1)  }
0x155: {  	v2 =	vperm.xlane v2, v0  }
0x156: {  	v3, _, _ =	vpop (xrf1);
	(xrf1) =	vsort.ascd.msk.f32 $0xffff, v1, v1  }
0x157: {  	v1 =	vmax.f32 v3, v2  }
0x158: {  	(xrf1) =	vsort.ascd.msk.f32 $0xffff, v1, v1;
	_ =	sdelay $0x8  }
0x159: {  	v1 =	vld [tilespmem:s15+$0xC00];
	_ =	sdelay $0x2  }
0x15a: {  	v2, _, _ =	vpop (xrf1)  }
0x15b: {  	v2 =	vperm.xlane v2, v0  }
0x15c: {  	v3, _, _ =	vpop (xrf1);
	(xrf1) =	vsort.ascd.msk.f32 $0xffff, v1, v1  }
0x15d: {  	v1 =	vmax.f32 v3, v2  }
0x15e: {  	(xrf1) =	vsort.ascd.msk.f32 $0xffff, v1, v1;
	_ =	sdelay $0x8  }
0x15f: {  	v1 =	vld [tilespmem:s15+$0xC10];
	_ =	sdelay $0x2  }
0x160: {  	v2, _, _ =	vpop (xrf1)  }
0x161: {  	v2 =	vperm.xlane v2, v0  }
0x162: {  	v3, _, _ =	vpop (xrf1);
	(xrf1) =	vsort.ascd.msk.f32 $0xffff, v1, v1  }
0x163: {  	v1 =	vmax.f32 v3, v2  }
0x164: {  	(xrf1) =	vsort.ascd.msk.f32 $0xffff, v1, v1;
	_ =	sdelay $0x8  }
0x165: {  	v1 =	vld [tilespmem:s15+$0xC20];
	_ =	sdelay $0x2  }
0x166: {  	v2, _, _ =	vpop (xrf1)  }
0x167: {  	v2 =	vperm.xlane v2, v0  }
0x168: {  	v3, _, _ =	vpop (xrf1);
	(xrf1) =	vsort.ascd.msk.f32 $0xffff, v1, v1  }
0x169: {  	v1 =	vmax.f32 v3, v2  }
0x16a: {  	(xrf1) =	vsort.ascd.msk.f32 $0xffff, v1, v1;
	_ =	sdelay $0x8  }
0x16b: {  	v1 =	vld [tilespmem:s15+$0xC30];
	_ =	sdelay $0x2  }
0x16c: {  	v2, _, _ =	vpop (xrf1)  }
0x16d: {  	v2 =	vperm.xlane v2, v0  }
0x16e: {  	v3, _, _ =	vpop (xrf1);
	(xrf1) =	vsort.ascd.msk.f32 $0xffff, v1, v1  }
0x16f: {  	v1 =	vmax.f32 v3, v2  }
0x170: {  	(xrf1) =	vsort.ascd.msk.f32 $0xffff, v1, v1;
	_ =	sdelay $0x8  }
0x171: {  	v1 =	vld [tilespmem:s15+$0xC40];
	_ =	sdelay $0x2  }
0x172: {  	v2, _, _ =	vpop (xrf1)  }
0x173: {  	v2 =	vperm.xlane v2, v0  }
0x174: {  	v3, _, _ =	vpop (xrf1);
	(xrf1) =	vsort.ascd.msk.f32 $0xffff, v1, v1  }
0x175: {  	v1 =	vmax.f32 v3, v2  }
0x176: {  	(xrf1) =	vsort.ascd.msk.f32 $0xffff, v1, v1;
	_ =	sdelay $0x8  }
0x177: {  	v1 =	vld [tilespmem:s15+$0xC50];
	_ =	sdelay $0x2  }
0x178: {  	v2, _, _ =	vpop (xrf1)  }
0x179: {  	v2 =	vperm.xlane v2, v0  }
0x17a: {  	v3, _, _ =	vpop (xrf1);
	(xrf1) =	vsort.ascd.msk.f32 $0xffff, v1, v1  }
0x17b: {  	v1 =	vmax.f32 v3, v2  }
0x17c: {  	(xrf1) =	vsort.ascd.msk.f32 $0xffff, v1, v1;
	_ =	sdelay $0x8  }
0x17d: {  	v1 =	vld [tilespmem:s15+$0xC60];
	_ =	sdelay $0x2  }
0x17e: {  	v2, _, _ =	vpop (xrf1)  }
0x17f: {  	v2 =	vperm.xlane v2, v0  }
0x180: {  	v3, _, _ =	vpop (xrf1);
	(xrf1) =	vsort.ascd.msk.f32 $0xffff, v1, v1  }
0x181: {  	v1 =	vmax.f32 v3, v2  }
0x182: {  	(xrf1) =	vsort.ascd.msk.f32 $0xffff, v1, v1;
	_ =	sdelay $0x8  }
0x183: {  	v1 =	vld [tilespmem:s15+$0xC70];
	_ =	sdelay $0x2  }
0x184: {  	v2, _, _ =	vpop (xrf1)  }
0x185: {  	v2 =	vperm.xlane v2, v0  }
0x186: {  	v3, _, _ =	vpop (xrf1);
	(xrf1) =	vsort.ascd.msk.f32 $0xffff, v1, v1  }
0x187: {  	v1 =	vmax.f32 v3, v2  }
0x188: {  	(xrf1) =	vsort.ascd.msk.f32 $0xffff, v1, v1;
	_ =	sdelay $0xb  }
0x189: {  	v1, _, _ =	vpop (xrf1)  }
0x18a: {  	v1 =	vperm.xlane v1, v0  }
0x18b: {  	v2, _, _ =	vpop (xrf1)  }
0x18c: {  	v1 =	vmax.f32 v2, v1  }
0x18d: {  	(xrf1) =	vsort.ascd.msk.f32 $0xffff, v1, v1;
	_ =	sdelay $0x9  }
.Ltmp0:
0x18e: {  	(pc) =	sbr.rel @p0 .LBB2_3-.Ltmp0, $3  }
0x18f: {  	_ =	sdelay $0x1  }
0x190: {  	s16 =	sshra.s32 s12, $0x2;
	s13 =	sadd.s32 $0x80, s13;
	s12 =	smov.u32 s14  }
0x191: {  	s14 =	sadd.s32 $0x200, s14;
	s17 =	sand.u32 $0x380, s13;
	s15 =	sand.u32 $0x7000, s12;
	v1, _, _ =	vpop (xrf1)  }
0x192: {  	s13 =	sor.u32 s17, s15;
	[tilespmem:s16+$0x8000] =	vst v1  }
0x193: {  	v1 =	vld [tilespmem:s13+$0x10];
	_ =	sdelay $0x1  }
0x194: {  	v2 =	vld [tilespmem:s13+$0x0];
	_ =	sdelay $0x2  }
0x195: {  	(xrf1) =	vsort.ascd.msk.f32 $0xffff, v1, v1;
	_ =	sdelay $0x1  }
0x196: {  	(xrf1) =	vsort.ascd.msk.f32 $0xffff, v2, v2;
	_ =	sdelay $0x8  }
0x197: {  	v1 =	vld [tilespmem:s13+$0x20];
	_ =	sdelay $0x2  }
0x198: {  	v2, _, _ =	vpop (xrf1)  }
0x199: {  	v2 =	vperm.xlane v2, v0  }
0x19a: {  	(xrf1) =	vsort.ascd.msk.f32 $0xffff, v1, v1;
	v3, _, _ =	vpop (xrf1)  }
0x19b: {  	v1 =	vmax.f32 v3, v2  }
0x19c: {  	(xrf1) =	vsort.ascd.msk.f32 $0xffff, v1, v1;
	_ =	sdelay $0x8  }
0x19d: {  	v1 =	vld [tilespmem:s13+$0x30];
	_ =	sdelay $0x2  }
0x19e: {  	v2, _, _ =	vpop (xrf1)  }
0x19f: {  	v2 =	vperm.xlane v2, v0  }
0x1a0: {  	(xrf1) =	vsort.ascd.msk.f32 $0xffff, v1, v1;
	v3, _, _ =	vpop (xrf1)  }
0x1a1: {  	v1 =	vmax.f32 v3, v2  }
0x1a2: {  	(xrf1) =	vsort.ascd.msk.f32 $0xffff, v1, v1;
	_ =	sdelay $0x8  }
0x1a3: {  	v1 =	vld [tilespmem:s13+$0x40];
	_ =	sdelay $0x2  }
0x1a4: {  	v2, _, _ =	vpop (xrf1)  }
0x1a5: {  	v2 =	vperm.xlane v2, v0  }
0x1a6: {  	(xrf1) =	vsort.ascd.msk.f32 $0xffff, v1, v1;
	v3, _, _ =	vpop (xrf1)  }
0x1a7: {  	v1 =	vmax.f32 v3, v2  }
0x1a8: {  	(xrf1) =	vsort.ascd.msk.f32 $0xffff, v1, v1;
	_ =	sdelay $0x8  }
0x1a9: {  	v1 =	vld [tilespmem:s13+$0x50];
	_ =	sdelay $0x2  }
0x1aa: {  	v2, _, _ =	vpop (xrf1)  }
0x1ab: {  	v2 =	vperm.xlane v2, v0  }
0x1ac: {  	(xrf1) =	vsort.ascd.msk.f32 $0xffff, v1, v1;
	v3, _, _ =	vpop (xrf1)  }
0x1ad: {  	v1 =	vmax.f32 v3, v2  }
0x1ae: {  	(xrf1) =	vsort.ascd.msk.f32 $0xffff, v1, v1;
	_ =	sdelay $0x8  }
0x1af: {  	v1 =	vld [tilespmem:s13+$0x60];
	_ =	sdelay $0x2  }
0x1b0: {  	v2, _, _ =	vpop (xrf1)  }
0x1b1: {  	v2 =	vperm.xlane v2, v0  }
0x1b2: {  	(xrf1) =	vsort.ascd.msk.f32 $0xffff, v1, v1;
	v3, _, _ =	vpop (xrf1)  }
0x1b3: {  	v1 =	vmax.f32 v3, v2  }
0x1b4: {  	(xrf1) =	vsort.ascd.msk.f32 $0xffff, v1, v1;
	_ =	sdelay $0x8  }
0x1b5: {  	v1 =	vld [tilespmem:s13+$0x70];
	_ =	sdelay $0x2  }
0x1b6: {  	v2, _, _ =	vpop (xrf1)  }
0x1b7: {  	v2 =	vperm.xlane v2, v0  }
0x1b8: {  	(xrf1) =	vsort.ascd.msk.f32 $0xffff, v1, v1;
	v3, _, _ =	vpop (xrf1)  }
0x1b9: {  	v1 =	vmax.f32 v3, v2  }
0x1ba: {  	(xrf1) =	vsort.ascd.msk.f32 $0xffff, v1, v1;
	_ =	sdelay $0x8  }
0x1bb: {  	v1 =	vld [tilespmem:s13+$0x400];
	_ =	sdelay $0x2  }
0x1bc: {  	v2, _, _ =	vpop (xrf1)  }
0x1bd: {  	v2 =	vperm.xlane v2, v0  }
0x1be: {  	(xrf1) =	vsort.ascd.msk.f32 $0xffff, v1, v1;
	v3, _, _ =	vpop (xrf1)  }
0x1bf: {  	v1 =	vmax.f32 v3, v2  }
0x1c0: {  	(xrf1) =	vsort.ascd.msk.f32 $0xffff, v1, v1;
	_ =	sdelay $0x8  }
0x1c1: {  	v1 =	vld [tilespmem:s13+$0x410];
	_ =	sdelay $0x2  }
0x1c2: {  	v2, _, _ =	vpop (xrf1)  }
0x1c3: {  	v2 =	vperm.xlane v2, v0  }
0x1c4: {  	(xrf1) =	vsort.ascd.msk.f32 $0xffff, v1, v1;
	v3, _, _ =	vpop (xrf1)  }
0x1c5: {  	v1 =	vmax.f32 v3, v2  }
0x1c6: {  	(xrf1) =	vsort.ascd.msk.f32 $0xffff, v1, v1;
	_ =	sdelay $0x8  }
0x1c7: {  	v1 =	vld [tilespmem:s13+$0x420];
	_ =	sdelay $0x2  }
0x1c8: {  	v2, _, _ =	vpop (xrf1)  }
0x1c9: {  	v2 =	vperm.xlane v2, v0  }
0x1ca: {  	(xrf1) =	vsort.ascd.msk.f32 $0xffff, v1, v1;
	v3, _, _ =	vpop (xrf1)  }
0x1cb: {  	v1 =	vmax.f32 v3, v2  }
0x1cc: {  	(xrf1) =	vsort.ascd.msk.f32 $0xffff, v1, v1;
	_ =	sdelay $0x8  }
0x1cd: {  	v1 =	vld [tilespmem:s13+$0x430];
	_ =	sdelay $0x2  }
0x1ce: {  	v2, _, _ =	vpop (xrf1)  }
0x1cf: {  	v2 =	vperm.xlane v2, v0  }
0x1d0: {  	(xrf1) =	vsort.ascd.msk.f32 $0xffff, v1, v1;
	v3, _, _ =	vpop (xrf1)  }
0x1d1: {  	v1 =	vmax.f32 v3, v2  }
0x1d2: {  	(xrf1) =	vsort.ascd.msk.f32 $0xffff, v1, v1;
	_ =	sdelay $0x8  }
0x1d3: {  	v1 =	vld [tilespmem:s13+$0x440];
	_ =	sdelay $0x2  }
0x1d4: {  	v2, _, _ =	vpop (xrf1)  }
0x1d5: {  	v2 =	vperm.xlane v2, v0  }
0x1d6: {  	(xrf1) =	vsort.ascd.msk.f32 $0xffff, v1, v1;
	v3, _, _ =	vpop (xrf1)  }
0x1d7: {  	v1 =	vmax.f32 v3, v2  }
0x1d8: {  	(xrf1) =	vsort.ascd.msk.f32 $0xffff, v1, v1;
	_ =	sdelay $0x8  }
0x1d9: {  	v1 =	vld [tilespmem:s13+$0x450];
	_ =	sdelay $0x2  }
0x1da: {  	v2, _, _ =	vpop (xrf1)  }
0x1db: {  	v2 =	vperm.xlane v2, v0  }
0x1dc: {  	(xrf1) =	vsort.ascd.msk.f32 $0xffff, v1, v1;
	v3, _, _ =	vpop (xrf1)  }
0x1dd: {  	v1 =	vmax.f32 v3, v2  }
0x1de: {  	(xrf1) =	vsort.ascd.msk.f32 $0xffff, v1, v1;
	_ =	sdelay $0x8  }
0x1df: {  	v1 =	vld [tilespmem:s13+$0x460];
	_ =	sdelay $0x2  }
0x1e0: {  	v2, _, _ =	vpop (xrf1)  }
0x1e1: {  	v2 =	vperm.xlane v2, v0  }
0x1e2: {  	(xrf1) =	vsort.ascd.msk.f32 $0xffff, v1, v1;
	v3, _, _ =	vpop (xrf1)  }
0x1e3: {  	v1 =	vmax.f32 v3, v2  }
0x1e4: {  	(xrf1) =	vsort.ascd.msk.f32 $0xffff, v1, v1;
	_ =	sdelay $0x8  }
0x1e5: {  	v1 =	vld [tilespmem:s13+$0x470];
	_ =	sdelay $0x2  }
0x1e6: {  	v2, _, _ =	vpop (xrf1)  }
0x1e7: {  	v2 =	vperm.xlane v2, v0  }
0x1e8: {  	(xrf1) =	vsort.ascd.msk.f32 $0xffff, v1, v1;
	v3, _, _ =	vpop (xrf1)  }
0x1e9: {  	v1 =	vmax.f32 v3, v2  }
0x1ea: {  	(xrf1) =	vsort.ascd.msk.f32 $0xffff, v1, v1;
	_ =	sdelay $0x8  }
0x1eb: {  	v1 =	vld [tilespmem:s13+$0x800];
	_ =	sdelay $0x2  }
0x1ec: {  	v2, _, _ =	vpop (xrf1)  }
0x1ed: {  	v2 =	vperm.xlane v2, v0  }
0x1ee: {  	(xrf1) =	vsort.ascd.msk.f32 $0xffff, v1, v1;
	v3, _, _ =	vpop (xrf1)  }
0x1ef: {  	v1 =	vmax.f32 v3, v2  }
0x1f0: {  	(xrf1) =	vsort.ascd.msk.f32 $0xffff, v1, v1;
	_ =	sdelay $0x8  }
0x1f1: {  	v1 =	vld [tilespmem:s13+$0x810];
	_ =	sdelay $0x2  }
0x1f2: {  	v2, _, _ =	vpop (xrf1)  }
0x1f3: {  	v2 =	vperm.xlane v2, v0  }
0x1f4: {  	(xrf1) =	vsort.ascd.msk.f32 $0xffff, v1, v1;
	v3, _, _ =	vpop (xrf1)  }
0x1f5: {  	v1 =	vmax.f32 v3, v2  }
0x1f6: {  	(xrf1) =	vsort.ascd.msk.f32 $0xffff, v1, v1;
	_ =	sdelay $0x8  }
0x1f7: {  	v1 =	vld [tilespmem:s13+$0x820];
	_ =	sdelay $0x2  }
0x1f8: {  	v2, _, _ =	vpop (xrf1)  }
0x1f9: {  	v2 =	vperm.xlane v2, v0  }
0x1fa: {  	(xrf1) =	vsort.ascd.msk.f32 $0xffff, v1, v1;
	v3, _, _ =	vpop (xrf1)  }
0x1fb: {  	v1 =	vmax.f32 v3, v2  }
0x1fc: {  	(xrf1) =	vsort.ascd.msk.f32 $0xffff, v1, v1;
	_ =	sdelay $0x8  }
0x1fd: {  	v1 =	vld [tilespmem:s13+$0x830];
	_ =	sdelay $0x2  }
0x1fe: {  	v2, _, _ =	vpop (xrf1)  }
0x1ff: {  	v2 =	vperm.xlane v2, v0  }
0x200: {  	(xrf1) =	vsort.ascd.msk.f32 $0xffff, v1, v1;
	v3, _, _ =	vpop (xrf1)  }
0x201: {  	v1 =	vmax.f32 v3, v2  }
0x202: {  	(xrf1) =	vsort.ascd.msk.f32 $0xffff, v1, v1;
	_ =	sdelay $0x8  }
0x203: {  	v1 =	vld [tilespmem:s13+$0x840];
	_ =	sdelay $0x2  }
0x204: {  	v2, _, _ =	vpop (xrf1)  }
0x205: {  	v2 =	vperm.xlane v2, v0  }
0x206: {  	(xrf1) =	vsort.ascd.msk.f32 $0xffff, v1, v1;
	v3, _, _ =	vpop (xrf1)  }
0x207: {  	v1 =	vmax.f32 v3, v2  }
0x208: {  	(xrf1) =	vsort.ascd.msk.f32 $0xffff, v1, v1;
	_ =	sdelay $0x8  }
0x209: {  	v1 =	vld [tilespmem:s13+$0x850];
	_ =	sdelay $0x2  }
0x20a: {  	v2, _, _ =	vpop (xrf1)  }
0x20b: {  	v2 =	vperm.xlane v2, v0  }
0x20c: {  	(xrf1) =	vsort.ascd.msk.f32 $0xffff, v1, v1;
	v3, _, _ =	vpop (xrf1)  }
0x20d: {  	v1 =	vmax.f32 v3, v2  }
0x20e: {  	(xrf1) =	vsort.ascd.msk.f32 $0xffff, v1, v1;
	_ =	sdelay $0x8  }
0x20f: {  	v1 =	vld [tilespmem:s13+$0x860];
	_ =	sdelay $0x2  }
0x210: {  	v2, _, _ =	vpop (xrf1)  }
0x211: {  	v2 =	vperm.xlane v2, v0  }
0x212: {  	(xrf1) =	vsort.ascd.msk.f32 $0xffff, v1, v1;
	v3, _, _ =	vpop (xrf1)  }
0x213: {  	v1 =	vmax.f32 v3, v2  }
0x214: {  	(xrf1) =	vsort.ascd.msk.f32 $0xffff, v1, v1;
	_ =	sdelay $0x8  }
0x215: {  	v1 =	vld [tilespmem:s13+$0x870];
	_ =	sdelay $0x2  }
0x216: {  	v2, _, _ =	vpop (xrf1)  }
0x217: {  	v2 =	vperm.xlane v2, v0  }
0x218: {  	(xrf1) =	vsort.ascd.msk.f32 $0xffff, v1, v1;
	v3, _, _ =	vpop (xrf1)  }
0x219: {  	v1 =	vmax.f32 v3, v2  }
0x21a: {  	(xrf1) =	vsort.ascd.msk.f32 $0xffff, v1, v1;
	_ =	sdelay $0x8  }
0x21b: {  	v1 =	vld [tilespmem:s13+$0xC00];
	_ =	sdelay $0x2  }
0x21c: {  	v2, _, _ =	vpop (xrf1)  }
0x21d: {  	v2 =	vperm.xlane v2, v0  }
0x21e: {  	(xrf1) =	vsort.ascd.msk.f32 $0xffff, v1, v1;
	v3, _, _ =	vpop (xrf1)  }
0x21f: {  	v1 =	vmax.f32 v3, v2  }
0x220: {  	(xrf1) =	vsort.ascd.msk.f32 $0xffff, v1, v1;
	_ =	sdelay $0x8  }
0x221: {  	v1 =	vld [tilespmem:s13+$0xC10];
	_ =	sdelay $0x2  }
0x222: {  	v2, _, _ =	vpop (xrf1)  }
0x223: {  	v2 =	vperm.xlane v2, v0  }
0x224: {  	(xrf1) =	vsort.ascd.msk.f32 $0xffff, v1, v1;
	v3, _, _ =	vpop (xrf1)  }
0x225: {  	v1 =	vmax.f32 v3, v2  }
0x226: {  	(xrf1) =	vsort.ascd.msk.f32 $0xffff, v1, v1;
	_ =	sdelay $0x8  }
0x227: {  	v1 =	vld [tilespmem:s13+$0xC20];
	_ =	sdelay $0x2  }
0x228: {  	v2, _, _ =	vpop (xrf1)  }
0x229: {  	v2 =	vperm.xlane v2, v0  }
0x22a: {  	(xrf1) =	vsort.ascd.msk.f32 $0xffff, v1, v1;
	v3, _, _ =	vpop (xrf1)  }
0x22b: {  	v1 =	vmax.f32 v3, v2  }
0x22c: {  	(xrf1) =	vsort.ascd.msk.f32 $0xffff, v1, v1;
	_ =	sdelay $0x8  }
0x22d: {  	v1 =	vld [tilespmem:s13+$0xC30];
	_ =	sdelay $0x2  }
0x22e: {  	v2, _, _ =	vpop (xrf1)  }
0x22f: {  	v2 =	vperm.xlane v2, v0  }
0x230: {  	(xrf1) =	vsort.ascd.msk.f32 $0xffff, v1, v1;
	v3, _, _ =	vpop (xrf1)  }
0x231: {  	v1 =	vmax.f32 v3, v2  }
0x232: {  	(xrf1) =	vsort.ascd.msk.f32 $0xffff, v1, v1;
	_ =	sdelay $0x8  }
0x233: {  	v1 =	vld [tilespmem:s13+$0xC40];
	_ =	sdelay $0x2  }
0x234: {  	v2, _, _ =	vpop (xrf1)  }
0x235: {  	v2 =	vperm.xlane v2, v0  }
0x236: {  	(xrf1) =	vsort.ascd.msk.f32 $0xffff, v1, v1;
	v3, _, _ =	vpop (xrf1)  }
0x237: {  	v1 =	vmax.f32 v3, v2  }
0x238: {  	(xrf1) =	vsort.ascd.msk.f32 $0xffff, v1, v1;
	_ =	sdelay $0x8  }
0x239: {  	v1 =	vld [tilespmem:s13+$0xC50];
	_ =	sdelay $0x2  }
0x23a: {  	v2, _, _ =	vpop (xrf1)  }
0x23b: {  	v2 =	vperm.xlane v2, v0  }
0x23c: {  	(xrf1) =	vsort.ascd.msk.f32 $0xffff, v1, v1;
	v3, _, _ =	vpop (xrf1)  }
0x23d: {  	v1 =	vmax.f32 v3, v2  }
0x23e: {  	(xrf1) =	vsort.ascd.msk.f32 $0xffff, v1, v1;
	_ =	sdelay $0x8  }
0x23f: {  	v1 =	vld [tilespmem:s13+$0xC60];
	_ =	sdelay $0x2  }
0x240: {  	v2, _, _ =	vpop (xrf1)  }
0x241: {  	v2 =	vperm.xlane v2, v0  }
0x242: {  	(xrf1) =	vsort.ascd.msk.f32 $0xffff, v1, v1;
	v3, _, _ =	vpop (xrf1)  }
0x243: {  	v1 =	vmax.f32 v3, v2  }
0x244: {  	(xrf1) =	vsort.ascd.msk.f32 $0xffff, v1, v1;
	_ =	sdelay $0x8  }
0x245: {  	v1 =	vld [tilespmem:s13+$0xC70];
	_ =	sdelay $0x2  }
0x246: {  	v2, _, _ =	vpop (xrf1)  }
0x247: {  	v2 =	vperm.xlane v2, v0  }
0x248: {  	(xrf1) =	vsort.ascd.msk.f32 $0xffff, v1, v1;
	v3, _, _ =	vpop (xrf1)  }
0x249: {  	v1 =	vmax.f32 v3, v2  }
0x24a: {  	(xrf1) =	vsort.ascd.msk.f32 $0xffff, v1, v1;
	_ =	sdelay $0xb  }
0x24b: {  	v1, _, _ =	vpop (xrf1)  }
0x24c: {  	v1 =	vperm.xlane v1, v0  }
0x24d: {  	v2, _, _ =	vpop (xrf1)  }
0x24e: {  	v1 =	vmax.f32 v2, v1  }
0x24f: {  	(xrf1) =	vsort.ascd.msk.f32 $0xffff, v1, v1;
	_ =	sdelay $0xc  }
0x250: {  	s10 =	sadd.s32 $0x1, s10  }
0x251: {  	s12 =	sshra.s32 s12, $0x2;
	s11 =	sshll.u32 s11, $0x4;
	p0 =	sne.s32 s10, $0xC;
	v1, _, _ =	vpop (xrf1)  }
.Ltmp1:
0x252: {  	s11 =	sadd.s32 s4, s11;
	[tilespmem:s12+$0x8000] =	vst v1;
	(pc) =	sbr.rel @p0 .LBB2_2-.Ltmp1, $4  }
0x253: {  	[hbm4b:s11+s2] =	stream.linear.scatter [tilespmem:s8], [sflag:$0x1], $0x2000, $0x38;
	[tilespmem:$0xA000] =	vst v63  }
0x254: {  	_ =	swait.ge [sflag:s7], $0x2000  }
0x255: {  	[sflag:s7] =	ssyncset.done $0x0  }
0x256: {  	[sflag:s7] =	ssyncadd.s32 $0xFFFFE000  }
0x257: {  	s9 =	sadd.s32 $0x1, s9  }
0x258: {  	p0 =	sne.s32 s9, s6  }
.Ltmp2:
0x259: {  	_ = 	snop;
	(pc) =	sbr.rel @p0 .LBB2_1-.Ltmp2, $1  }
0x25a: {  	_ =	sdelay $0x3  }
0x25b: {  	_ =	sfence.sel $0x180000  }
0x25c: {  	[bflag:$0x0] =	sbarrier.arrive $0xFFFF  }
0x25d: {  	p0 =	sne.s32 s1, $0x0;
	_ =	strace $0x90000047  }
0x25e: {  	s0 =	sadd.s32 @!p0 $0x100000, s0;
	[bflag:$0x2] =	sbarrier.arrive $0xFFFF  }
0x25f: {  	[sflag:s0] =	ssyncadd.tile.s32 @!p0 $0x1;
	_ =	shalt  }
.Lfunc_end2:
_tile_overlayer_lowered:
.L_overlay_start_2:
0x260: {  	(tag) =	ssettag $0x2  }
0x261: {  	s0 =	rddreg [dreg:$0x0];
	s2 =	stileid.u32  }
0x262: {  	s1 =	rddreg [dreg:$0x1];
	p0 =	sne.s32 s2, $0x0  }
0x263: {  	s3 =	rddreg [dreg:$0x2];
	[bflag:$0x3] =	sbarrier.arrive $0xFFFF;
	s2 =	simm.s32 @!p0 $0x1C01  }
0x264: {  	[timem:s3], [sflag:s2] =	dma.local @!p0 [hbm:s0], s1  }
0x265: {  	s0 =	simm.s32 @!p0 $0x1  }
0x266: {  	_ =	swait.ge @!p0 [sflag:s0], s1  }
0x267: {  	s1 =	ssub.s32 @!p0 $0x0, s1;
	[sflag:s0] =	ssyncset.done @!p0 $0x0  }
0x268: {  	[sflag:s0] =	ssyncadd.s32 @!p0 s1  }
0x269: {  	[bflag:$0x3] =	sbarrier.arrive $0xFFFF  }
0x26a: {  	_ =	shalt  }

</sc_bundles>
